<compile_context>
chip_gen: v7x
topology: tpu7x:2x2x1
jax: 0.10.2.dev20260603
libtpu: 0.0.44.dev20260713+nightly
codegen_flags: <defaults>
</compile_context>

<pallas_src>
import functools

import jax
import jax.numpy as jnp
from jax import lax
from jax.experimental import pallas as pl
from jax.experimental.pallas import tpu as pltpu
from jax.experimental.pallas import tpu_sc as plsc

N = 10000
E = 320000
D = 128
H = 128
EPS = 1e-08

CW = 144
NC = 2
NS = 16
NW = NC * NS
GB = 128
GGB = 80
TW = 144
E_PAD = 327680
NIB = E_PAD // GB
BPW = NIB // NW
NP = 10240
RPT = NP // NS


def _silu(x):
    return x * jax.nn.sigmoid(x)


def _gather_body(hxp, ridx2, cidx2, src_out, tgt_out,
                 ridx_v, cidx_v, srows_v, trows_v, sem1, sem2):
    c = lax.axis_index("c")
    s = lax.axis_index("s")
    wid = s * NC + c
    epw = E_PAD // NW
    base = wid * (epw // GGB)

    def body(i, _):
        off = (base + i) * GGB
        pltpu.sync_copy(ridx2.at[pl.ds(off, GGB)], ridx_v)
        pltpu.sync_copy(cidx2.at[pl.ds(off, GGB)], cidx_v)
        cp1 = pltpu.async_copy(hxp.at[ridx_v], srows_v, sem1)
        cp2 = pltpu.async_copy(hxp.at[cidx_v], trows_v, sem2)
        cp1.wait()
        cp2.wait()
        off = (base + i) * GGB
        pltpu.sync_copy(srows_v.at[:, pl.ds(0, D)], src_out.at[pl.ds(off, GGB)])
        pltpu.sync_copy(trows_v.at[:, pl.ds(0, D)], tgt_out.at[pl.ds(off, GGB)])
        return 0

    lax.fori_loop(0, epw // GGB, body, 0)


def _sc_gather(hxp, ridx2, cidx2):
    mesh = plsc.VectorSubcoreMesh(core_axis_name="c", subcore_axis_name="s")
    k = pl.kernel(
        _gather_body,
        out_type=(jax.ShapeDtypeStruct((E_PAD, D), jnp.float32),
                  jax.ShapeDtypeStruct((E_PAD, D), jnp.float32)),
        mesh=mesh,
        scratch_types=[
            pltpu.VMEM((GGB,), jnp.int32),
            pltpu.VMEM((GGB,), jnp.int32),
            pltpu.VMEM((GGB, TW), jnp.float32),
            pltpu.VMEM((GGB, TW), jnp.float32),
            pltpu.SemaphoreType.DMA,
            pltpu.SemaphoreType.DMA,
        ],
        compiler_params=pltpu.CompilerParams(use_tc_tiling_on_sc=False),
    )
    return k(hxp, ridx2, cidx2)


def _scatter_body(packed, sidx2, zeros_hbm, out, idx_v, vals_v, acc):
    c = lax.axis_index("c")
    s = lax.axis_index("s")
    wid = s * NC + c
    base = wid * BPW

    pltpu.sync_copy(zeros_hbm, acc.at[pl.ds(s * RPT, RPT)])
    plsc.subcore_barrier()

    def body(i, _):
        blk = base + i
        off = blk * GB
        pltpu.sync_copy(sidx2.at[blk], idx_v)
        pltpu.sync_copy(packed.at[pl.ds(off, GB)], vals_v)
        pltpu.sync_copy(vals_v, acc.at[idx_v], add=True)
        return 0

    lax.fori_loop(0, BPW, body, 0)
    plsc.subcore_barrier()
    pltpu.sync_copy(acc.at[pl.ds(s * RPT, RPT)], out.at[c, pl.ds(s * RPT, RPT)])


def _sc_scatter(packed, sidx2, zeros_hbm):
    mesh = plsc.VectorSubcoreMesh(core_axis_name="c", subcore_axis_name="s")
    k = pl.kernel(
        _scatter_body,
        out_type=jax.ShapeDtypeStruct((NC, NP, CW), jnp.float32),
        mesh=mesh,
        scratch_types=[
            pltpu.VMEM((GB,), jnp.int32),
            pltpu.VMEM((GB, CW), jnp.float32),
            pltpu.VMEM_SHARED((NP, CW), jnp.float32),
        ],
        compiler_params=pltpu.CompilerParams(use_tc_tiling_on_sc=False),
    )
    return k(packed, sidx2, zeros_hbm)


BE = 2048


def _edge_block(src_ref, tgt_ref, we1s, we1t, we1r, be1, we2, be2,
                wc1, bc1, wc2, out_ref):
    bf = jnp.bfloat16

    def unpack(words):
        xi = lax.bitcast_convert_type(words, jnp.int32)
        lo = lax.bitcast_convert_type(jnp.left_shift(xi, 16), jnp.float32)
        hi = lax.bitcast_convert_type(
            jnp.bitwise_and(xi, jnp.int32(-65536)), jnp.float32)
        return jnp.concatenate([lo, hi], axis=1).astype(bf)

    s = unpack(src_ref[:, :D // 2])
    t = unpack(tgt_ref[:, :D // 2])
    cr = src_ref[:, D // 2:D // 2 + 16]
    cc = tgt_ref[:, D // 2:D // 2 + 16]
    cd = cr - cc
    radial = jnp.sum(cd * cd, axis=1, keepdims=True)
    norm = jnp.sqrt(radial) + EPS
    cdn = cd / norm
    pre1 = (jnp.dot(s, we1s[...].astype(bf), preferred_element_type=jnp.float32)
            + jnp.dot(t, we1t[...].astype(bf), preferred_element_type=jnp.float32)
            + radial * we1r[...] + be1[...])
    e1 = _silu(pre1)
    ef = _silu(jnp.dot(e1.astype(bf), we2[...].astype(bf),
                       preferred_element_type=jnp.float32) + be2[...])
    c1 = _silu(jnp.dot(ef.astype(bf), wc1[...].astype(bf),
                       preferred_element_type=jnp.float32) + bc1[...])
    cwt = jnp.sum(c1 * wc2[...], axis=1, keepdims=True)
    out_ref[:, :D] = ef
    out_ref[:, D:CW] = cdn * cwt


def _tc_edge(src_ext, tgt_ext, we1s, we1t, we1r, be1, we2, be2, wc1, bc1, wc2):
    nblk = E_PAD // BE
    full = lambda shape: pl.BlockSpec(shape, lambda i: (0,) * len(shape))
    return pl.pallas_call(
        _edge_block,
        grid=(nblk,),
        in_specs=[
            pl.BlockSpec((BE, D), lambda i: (i, 0)),
            pl.BlockSpec((BE, D), lambda i: (i, 0)),
            full((D, H)), full((D, H)), full((1, H)), full((1, H)),
            full((H, H)), full((1, H)),
            full((H, H)), full((1, H)), full((1, H)),
        ],
        out_specs=pl.BlockSpec((BE, CW), lambda i: (i, 0)),
        out_shape=jax.ShapeDtypeStruct((E_PAD, CW), jnp.float32),
    )(src_ext, tgt_ext, we1s, we1t, we1r, be1, we2, be2, wc1, bc1, wc2)


BN = 2000


def _node_block(h_ref, cp_ref, agg_ref, wn1h, wn1a, bn1, wn2, bn2,
                hout_ref, cout_ref):
    bf = jnp.bfloat16
    aggf = agg_ref[0] + agg_ref[1]
    agg = aggf[:, :D]
    h = h_ref[...]
    pre = (jnp.dot(h.astype(bf), wn1h[...].astype(bf),
                   preferred_element_type=jnp.float32)
           + jnp.dot(agg.astype(bf), wn1a[...].astype(bf),
                     preferred_element_type=jnp.float32)
           + bn1[...])
    hn = jnp.dot(_silu(pre).astype(bf), wn2[...].astype(bf),
                 preferred_element_type=jnp.float32) + bn2[...]
    hout_ref[...] = h + hn
    cout_ref[...] = cp_ref[...] + aggf[:, D:CW]


def _tc_node(h, coordp, aggp, wn1h, wn1a, bn1, wn2, bn2):
    nblk = N // BN
    full = lambda shape: pl.BlockSpec(shape, lambda i: (0,) * len(shape))
    return pl.pallas_call(
        _node_block,
        grid=(nblk,),
        in_specs=[
            pl.BlockSpec((BN, D), lambda i: (i, 0)),
            pl.BlockSpec((BN, 16), lambda i: (i, 0)),
            pl.BlockSpec((NC, BN, CW), lambda i: (0, i, 0)),
            full((D, H)), full((D, H)), full((1, H)),
            full((H, D)), full((1, D)),
        ],
        out_specs=[
            pl.BlockSpec((BN, D), lambda i: (i, 0)),
            pl.BlockSpec((BN, 16), lambda i: (i, 0)),
        ],
        out_shape=[
            jax.ShapeDtypeStruct((N, D), jnp.float32),
            jax.ShapeDtypeStruct((N, 16), jnp.float32),
        ],
    )(h, coordp, aggp, wn1h, wn1a, bn1, wn2, bn2)


def kernel(h, edge_index, coord, We1, be1, We2, be2, Wn1, bn1, Wn2, bn2,
           Wc1, bc1, Wc2):
    row = edge_index[0]
    col = edge_index[1]

    lo_u = lax.bitcast_convert_type(
        h[:, :D // 2].astype(jnp.bfloat16), jnp.uint16).astype(jnp.uint32)
    hi_u = lax.bitcast_convert_type(
        h[:, D // 2:].astype(jnp.bfloat16), jnp.uint16).astype(jnp.uint32)
    h_pk = lax.bitcast_convert_type((hi_u << 16) | lo_u, jnp.float32)
    hxp = jnp.concatenate(
        [h_pk, coord, jnp.zeros((N, TW - D // 2 - 3), jnp.float32)], axis=1)

    pad = E_PAD - E
    rowp = jnp.concatenate([row, jnp.zeros((pad,), jnp.int32)])
    colp = jnp.concatenate([col, jnp.zeros((pad,), jnp.int32)])
    sidx2 = jnp.concatenate(
        [row, jnp.full((pad,), NP - 1, jnp.int32)]).reshape(NIB, GB)

    src_ext, tgt_ext = _sc_gather(hxp, rowp, colp)

    packed = _tc_edge(
        src_ext, tgt_ext,
        We1[:, :D].T, We1[:, D:2 * D].T, We1[:, 2 * D:].T,
        be1.reshape(1, H), We2.T, be2.reshape(1, H),
        Wc1.T, bc1.reshape(1, H), Wc2.reshape(1, H))

    zeros_hbm = jnp.zeros((RPT, CW), jnp.float32)
    aggp = _sc_scatter(packed, sidx2, zeros_hbm)

    coordp = jnp.pad(coord, ((0, 0), (0, 13)))
    h_out, coutp = _tc_node(
        h, coordp, aggp,
        Wn1[:, :D].T, Wn1[:, D:].T, bn1.reshape(1, H),
        Wn2.T, bn2.reshape(1, D))
    return (h_out, coutp[:, :3])

# --- scband reference (transcript-rebuilt; emitter-appended) ---
"""Pipeline reference for scband-e-gcl-35304631173698 (READ-ONLY COPY).

The authoritative reference and input builder live on the scoring server;
editing this copy changes nothing except your own understanding.
"""

import jax, jax.numpy as jnp
import numpy as np

N = 10000
E = 320000
D = 128
H = 128
EPS = 1e-08


def silu(x):
    return x * jax.nn.sigmoid(x)


def setup_inputs(seed: int = 0) -> dict:
    key = jax.random.key(seed)
    ks = jax.random.split(key, 16)
    h = jax.random.normal(ks[0], (N, D), dtype=jnp.float32)
    edge_index = jax.random.randint(ks[1], (2, E), 0, N, dtype=jnp.int32)
    coord = jax.random.normal(ks[2], (N, 3), dtype=jnp.float32)
    # edge_mlp: Linear(2*D+1 -> H), Linear(H -> H)
    We1 = jax.random.normal(ks[3], (H, 2 * D + 1), dtype=jnp.float32) * 0.05
    be1 = jnp.zeros((H,), dtype=jnp.float32)
    We2 = jax.random.normal(ks[4], (H, H), dtype=jnp.float32) * 0.05
    be2 = jnp.zeros((H,), dtype=jnp.float32)
    # node_mlp: Linear(H + D -> H), Linear(H -> D)
    Wn1 = jax.random.normal(ks[5], (H, H + D), dtype=jnp.float32) * 0.05
    bn1 = jnp.zeros((H,), dtype=jnp.float32)
    Wn2 = jax.random.normal(ks[6], (D, H), dtype=jnp.float32) * 0.05
    bn2 = jnp.zeros((D,), dtype=jnp.float32)
    # coord_mlp: Linear(H -> H), act, Linear(H -> 1, bias=False, xavier gain=0.001)
    Wc1 = jax.random.normal(ks[7], (H, H), dtype=jnp.float32) * 0.05
    bc1 = jnp.zeros((H,), dtype=jnp.float32)
    Wc2 = jax.random.normal(ks[8], (1, H), dtype=jnp.float32) * 0.001
    return {"h": h, "edge_index": edge_index, "coord": coord,
            "We1": We1, "be1": be1, "We2": We2, "be2": be2,
            "Wn1": Wn1, "bn1": bn1, "Wn2": Wn2, "bn2": bn2,
            "Wc1": Wc1, "bc1": bc1, "Wc2": Wc2}


def reference(h, edge_index, coord, We1, be1, We2, be2, Wn1, bn1, Wn2, bn2, Wc1, bc1, Wc2):
    row = edge_index[0]
    col = edge_index[1]
    # coord2radial (normalize=True)
    coord_diff = coord[row] - coord[col]
    radial = jnp.sum(coord_diff ** 2, axis=1, keepdims=True)
    norm = jnp.sqrt(jax.lax.stop_gradient(radial)) + EPS
    coord_diff = coord_diff / norm
    # edge_model (edge_attr is None, not concatenated)
    src = h[row]
    tgt = h[col]
    eio = jnp.concatenate([src, tgt, radial], axis=1)
    e = silu(eio @ We1.T + be1)
    edge_feat = silu(e @ We2.T + be2)
    # coord_model (coords_agg='sum')
    cw = silu(edge_feat @ Wc1.T + bc1) @ Wc2.T  # [E, 1]
    trans = coord_diff * cw
    agg_c = jnp.zeros_like(coord).at[row].add(trans)
    coord_out = coord + agg_c
    # node_model (residual=True, node_attr=None)
    agg = jnp.zeros((h.shape[0], edge_feat.shape[1]), dtype=h.dtype).at[row].add(edge_feat)
    agg2 = jnp.concatenate([h, agg], axis=1)
    hn = silu(agg2 @ Wn1.T + bn1) @ Wn2.T + bn2
    h_out = h + hn
    return (h_out, coord_out)

if __name__ == "__main__":
    import jax
    _d = setup_inputs()
    print(jax.jit(kernel)(*tuple(_d.values())))

</pallas_src>

<mosaic_0001>
#map = affine_map<(d0, d1) -> (0, 0)>
#map1 = affine_map<(d0, d1) -> (0)>
module attributes {stable_mosaic.version = 14 : i64} {
  func.func @_gather_body(%arg0: i32, %arg1: i32, %arg2: memref<10000x144xf32, #tpu.memory_space<hbm>>, %arg3: memref<327680xi32, #tpu.memory_space<hbm>>, %arg4: memref<327680xi32, #tpu.memory_space<hbm>>, %arg5: memref<327680x128xf32, #tpu.memory_space<hbm>>, %arg6: memref<327680x128xf32, #tpu.memory_space<hbm>>, %arg7: memref<80xi32, #tpu.memory_space<vmem>>, %arg8: memref<80xi32, #tpu.memory_space<vmem>>, %arg9: memref<80x144xf32, #tpu.memory_space<vmem>>, %arg10: memref<80x144xf32, #tpu.memory_space<vmem>>, %arg11: memref<!tpu.dma_semaphore, #tpu.memory_space<semaphore_mem>>, %arg12: memref<!tpu.dma_semaphore, #tpu.memory_space<semaphore_mem>>) attributes {dimension_semantics = [#tpu.dimension_semantics<core_parallel>, #tpu.dimension_semantics<subcore_parallel>], iteration_bounds = array<i64: 2, 16>, scalar_prefetch = 0 : i64, scratch_operands = 6 : i64, tpu.core_type = #tpu.core_type<sc_vector_subcore>, window_params = [{transform_indices = #map}, {transform_indices = #map1}, {transform_indices = #map1}, {transform_indices = #map}, {transform_indices = #map}]} {
    %mul3A = arith.constant 2 : i32
    %mul3A_0 = arith.muli %arg1, %mul3A : i32
    %add3A = arith.addi %mul3A_0, %arg0 : i32
    %mul3A_1 = arith.constant 128 : i32
    %mul3A_2 = arith.muli %add3A, %mul3A_1 : i32
    %scan3A = arith.constant 0 : i32
    %scan3A_3 = arith.constant 0 : i32
    %scan3A_4 = arith.constant 128 : i32
    %scan3A_5 = arith.addi %scan3A_3, %scan3A_4 : i32
    %scan3A_6 = arith.constant 1 : i32
    %scan3A_7 = scf.for %scan3A_9 = %scan3A_3 to %scan3A_5 step %scan3A_6 iter_args(%scan3A_10 = %scan3A) -> (i32)  : i32 {
      %add3A_11 = arith.addi %mul3A_2, %scan3A_9 : i32
      %mul3A_12 = arith.constant 80 : i32
      %mul3A_13 = arith.muli %add3A_11, %mul3A_12 : i32
      "tpu.region"() ({
        %run_scoped3A = tpu.sem_alloc : memref<!tpu.dma_semaphore, #tpu.memory_space<semaphore_mem>>
        %dma_start3A_28 = tpu.memref_slice %arg3[%mul3A_13] : memref<327680xi32, #tpu.memory_space<hbm>> -> memref<80xi32, #tpu.memory_space<hbm>>
        %dma_start3A_29 = tpu.memref_slice %arg3[%mul3A_13] : memref<327680xi32, #tpu.memory_space<hbm>> -> memref<80xi32, #tpu.memory_space<hbm>>
        tpu.enqueue_dma source(%dma_start3A_29 : memref<80xi32, #tpu.memory_space<hbm>>) target(%arg7 : memref<80xi32, #tpu.memory_space<vmem>>) target_semaphore(%run_scoped3A : memref<!tpu.dma_semaphore, #tpu.memory_space<semaphore_mem>>)
        %dma_wait3A_30 = tpu.memref_slice %arg3[%mul3A_13] : memref<327680xi32, #tpu.memory_space<hbm>> -> memref<80xi32, #tpu.memory_space<hbm>>
        %dma_wait3A_31 = tpu.memref_slice %arg3[%mul3A_13] : memref<327680xi32, #tpu.memory_space<hbm>> -> memref<80xi32, #tpu.memory_space<hbm>>
        tpu.wait_dma2 semaphore(%run_scoped3A : memref<!tpu.dma_semaphore, #tpu.memory_space<semaphore_mem>>) src(%dma_wait3A_31 : memref<80xi32, #tpu.memory_space<hbm>>) dst(%arg7 : memref<80xi32, #tpu.memory_space<vmem>>)
        tpu.yield
      }) : () -> ()
      "tpu.region"() ({
        %run_scoped3A = tpu.sem_alloc : memref<!tpu.dma_semaphore, #tpu.memory_space<semaphore_mem>>
        %dma_start3A_28 = tpu.memref_slice %arg4[%mul3A_13] : memref<327680xi32, #tpu.memory_space<hbm>> -> memref<80xi32, #tpu.memory_space<hbm>>
        %dma_start3A_29 = tpu.memref_slice %arg4[%mul3A_13] : memref<327680xi32, #tpu.memory_space<hbm>> -> memref<80xi32, #tpu.memory_space<hbm>>
        tpu.enqueue_dma source(%dma_start3A_29 : memref<80xi32, #tpu.memory_space<hbm>>) target(%arg8 : memref<80xi32, #tpu.memory_space<vmem>>) target_semaphore(%run_scoped3A : memref<!tpu.dma_semaphore, #tpu.memory_space<semaphore_mem>>)
        %dma_wait3A_30 = tpu.memref_slice %arg4[%mul3A_13] : memref<327680xi32, #tpu.memory_space<hbm>> -> memref<80xi32, #tpu.memory_space<hbm>>
        %dma_wait3A_31 = tpu.memref_slice %arg4[%mul3A_13] : memref<327680xi32, #tpu.memory_space<hbm>> -> memref<80xi32, #tpu.memory_space<hbm>>
        tpu.wait_dma2 semaphore(%run_scoped3A : memref<!tpu.dma_semaphore, #tpu.memory_space<semaphore_mem>>) src(%dma_wait3A_31 : memref<80xi32, #tpu.memory_space<hbm>>) dst(%arg8 : memref<80xi32, #tpu.memory_space<vmem>>)
        tpu.yield
      }) : () -> ()
      %dma_start3A = arith.constant 0 : i32
      %dma_start3A_14 = arith.constant 0 : i32
      %dma_start3A_15 = tpu.memref_slice %arg2[%dma_start3A, %dma_start3A_14] : memref<10000x144xf32, #tpu.memory_space<hbm>> -> memref<10000x144xf32, #tpu.memory_space<hbm>>
      tpu.enqueue_indirect_dma source(%dma_start3A_15 : memref<10000x144xf32, #tpu.memory_space<hbm>>) target(%arg9 : memref<80x144xf32, #tpu.memory_space<vmem>>) offsets(%arg7 : memref<80xi32, #tpu.memory_space<vmem>>) semaphore(%arg11 : memref<!tpu.dma_semaphore, #tpu.memory_space<semaphore_mem>>)
      %dma_start3A_16 = arith.constant 0 : i32
      %dma_start3A_17 = arith.constant 0 : i32
      %dma_start3A_18 = tpu.memref_slice %arg2[%dma_start3A_16, %dma_start3A_17] : memref<10000x144xf32, #tpu.memory_space<hbm>> -> memref<10000x144xf32, #tpu.memory_space<hbm>>
      tpu.enqueue_indirect_dma source(%dma_start3A_18 : memref<10000x144xf32, #tpu.memory_space<hbm>>) target(%arg10 : memref<80x144xf32, #tpu.memory_space<vmem>>) offsets(%arg8 : memref<80xi32, #tpu.memory_space<vmem>>) semaphore(%arg12 : memref<!tpu.dma_semaphore, #tpu.memory_space<semaphore_mem>>)
      %dma_wait3A = arith.constant 0 : i32
      %dma_wait3A_19 = arith.constant 0 : i32
      %dma_wait3A_20 = tpu.memref_slice %arg2[%dma_wait3A, %dma_wait3A_19] : memref<10000x144xf32, #tpu.memory_space<hbm>> -> memref<10000x144xf32, #tpu.memory_space<hbm>>
      tpu.wait_indirect_dma semaphore(%arg11 : memref<!tpu.dma_semaphore, #tpu.memory_space<semaphore_mem>>) src(%dma_wait3A_20 : memref<10000x144xf32, #tpu.memory_space<hbm>>) dst(%arg9 : memref<80x144xf32, #tpu.memory_space<vmem>>)
      %dma_wait3A_21 = arith.constant 0 : i32
      %dma_wait3A_22 = arith.constant 0 : i32
      %dma_wait3A_23 = tpu.memref_slice %arg2[%dma_wait3A_21, %dma_wait3A_22] : memref<10000x144xf32, #tpu.memory_space<hbm>> -> memref<10000x144xf32, #tpu.memory_space<hbm>>
      tpu.wait_indirect_dma semaphore(%arg12 : memref<!tpu.dma_semaphore, #tpu.memory_space<semaphore_mem>>) src(%dma_wait3A_23 : memref<10000x144xf32, #tpu.memory_space<hbm>>) dst(%arg10 : memref<80x144xf32, #tpu.memory_space<vmem>>)
      %add3A_24 = arith.addi %mul3A_2, %scan3A_9 : i32
      %mul3A_25 = arith.constant 80 : i32
      %mul3A_26 = arith.muli %add3A_24, %mul3A_25 : i32
      "tpu.region"() ({
        %run_scoped3A = tpu.sem_alloc : memref<!tpu.dma_semaphore, #tpu.memory_space<semaphore_mem>>
        %dma_start3A_28 = arith.constant 0 : i32
        %dma_start3A_29 = arith.constant 0 : i32
        %dma_start3A_30 = tpu.memref_slice %arg9[%dma_start3A_28, %dma_start3A_29] : memref<80x144xf32, #tpu.memory_space<vmem>> -> memref<80x128xf32, #tpu.memory_space<vmem>>
        %dma_start3A_31 = arith.constant 0 : i32
        %dma_start3A_32 = tpu.memref_slice %arg5[%mul3A_26, %dma_start3A_31] : memref<327680x128xf32, #tpu.memory_space<hbm>> -> memref<80x128xf32, #tpu.memory_space<hbm>>
        %dma_start3A_33 = arith.constant 0 : i32
        %dma_start3A_34 = tpu.memref_slice %arg5[%mul3A_26, %dma_start3A_33] : memref<327680x128xf32, #tpu.memory_space<hbm>> -> memref<80x128xf32, #tpu.memory_space<hbm>>
        %dma_start3A_35 = arith.constant 0 : i32
        %dma_start3A_36 = arith.constant 0 : i32
        %dma_start3A_37 = tpu.memref_slice %arg9[%dma_start3A_35, %dma_start3A_36] : memref<80x144xf32, #tpu.memory_space<vmem>> -> memref<80x128xf32, #tpu.memory_space<vmem>>
        tpu.enqueue_dma source(%dma_start3A_37 : memref<80x128xf32, #tpu.memory_space<vmem>>) target(%dma_start3A_34 : memref<80x128xf32, #tpu.memory_space<hbm>>) target_semaphore(%run_scoped3A : memref<!tpu.dma_semaphore, #tpu.memory_space<semaphore_mem>>)
        %dma_wait3A_38 = arith.constant 0 : i32
        %dma_wait3A_39 = arith.constant 0 : i32
        %dma_wait3A_40 = tpu.memref_slice %arg9[%dma_wait3A_38, %dma_wait3A_39] : memref<80x144xf32, #tpu.memory_space<vmem>> -> memref<80x128xf32, #tpu.memory_space<vmem>>
        %dma_wait3A_41 = arith.constant 0 : i32
        %dma_wait3A_42 = tpu.memref_slice %arg5[%mul3A_26, %dma_wait3A_41] : memref<327680x128xf32, #tpu.memory_space<hbm>> -> memref<80x128xf32, #tpu.memory_space<hbm>>
        %dma_wait3A_43 = arith.constant 0 : i32
        %dma_wait3A_44 = tpu.memref_slice %arg5[%mul3A_26, %dma_wait3A_43] : memref<327680x128xf32, #tpu.memory_space<hbm>> -> memref<80x128xf32, #tpu.memory_space<hbm>>
        %dma_wait3A_45 = arith.constant 0 : i32
        %dma_wait3A_46 = arith.constant 0 : i32
        %dma_wait3A_47 = tpu.memref_slice %arg9[%dma_wait3A_45, %dma_wait3A_46] : memref<80x144xf32, #tpu.memory_space<vmem>> -> memref<80x128xf32, #tpu.memory_space<vmem>>
        tpu.wait_dma2 semaphore(%run_scoped3A : memref<!tpu.dma_semaphore, #tpu.memory_space<semaphore_mem>>) src(%dma_wait3A_47 : memref<80x128xf32, #tpu.memory_space<vmem>>) dst(%dma_wait3A_44 : memref<80x128xf32, #tpu.memory_space<hbm>>)
        tpu.yield
      }) : () -> ()
      "tpu.region"() ({
        %run_scoped3A = tpu.sem_alloc : memref<!tpu.dma_semaphore, #tpu.memory_space<semaphore_mem>>
        %dma_start3A_28 = arith.constant 0 : i32
        %dma_start3A_29 = arith.constant 0 : i32
        %dma_start3A_30 = tpu.memref_slice %arg10[%dma_start3A_28, %dma_start3A_29] : memref<80x144xf32, #tpu.memory_space<vmem>> -> memref<80x128xf32, #tpu.memory_space<vmem>>
        %dma_start3A_31 = arith.constant 0 : i32
        %dma_start3A_32 = tpu.memref_slice %arg6[%mul3A_26, %dma_start3A_31] : memref<327680x128xf32, #tpu.memory_space<hbm>> -> memref<80x128xf32, #tpu.memory_space<hbm>>
        %dma_start3A_33 = arith.constant 0 : i32
        %dma_start3A_34 = tpu.memref_slice %arg6[%mul3A_26, %dma_start3A_33] : memref<327680x128xf32, #tpu.memory_space<hbm>> -> memref<80x128xf32, #tpu.memory_space<hbm>>
        %dma_start3A_35 = arith.constant 0 : i32
        %dma_start3A_36 = arith.constant 0 : i32
        %dma_start3A_37 = tpu.memref_slice %arg10[%dma_start3A_35, %dma_start3A_36] : memref<80x144xf32, #tpu.memory_space<vmem>> -> memref<80x128xf32, #tpu.memory_space<vmem>>
        tpu.enqueue_dma source(%dma_start3A_37 : memref<80x128xf32, #tpu.memory_space<vmem>>) target(%dma_start3A_34 : memref<80x128xf32, #tpu.memory_space<hbm>>) target_semaphore(%run_scoped3A : memref<!tpu.dma_semaphore, #tpu.memory_space<semaphore_mem>>)
        %dma_wait3A_38 = arith.constant 0 : i32
        %dma_wait3A_39 = arith.constant 0 : i32
        %dma_wait3A_40 = tpu.memref_slice %arg10[%dma_wait3A_38, %dma_wait3A_39] : memref<80x144xf32, #tpu.memory_space<vmem>> -> memref<80x128xf32, #tpu.memory_space<vmem>>
        %dma_wait3A_41 = arith.constant 0 : i32
        %dma_wait3A_42 = tpu.memref_slice %arg6[%mul3A_26, %dma_wait3A_41] : memref<327680x128xf32, #tpu.memory_space<hbm>> -> memref<80x128xf32, #tpu.memory_space<hbm>>
        %dma_wait3A_43 = arith.constant 0 : i32
        %dma_wait3A_44 = tpu.memref_slice %arg6[%mul3A_26, %dma_wait3A_43] : memref<327680x128xf32, #tpu.memory_space<hbm>> -> memref<80x128xf32, #tpu.memory_space<hbm>>
        %dma_wait3A_45 = arith.constant 0 : i32
        %dma_wait3A_46 = arith.constant 0 : i32
        %dma_wait3A_47 = tpu.memref_slice %arg10[%dma_wait3A_45, %dma_wait3A_46] : memref<80x144xf32, #tpu.memory_space<vmem>> -> memref<80x128xf32, #tpu.memory_space<vmem>>
        tpu.wait_dma2 semaphore(%run_scoped3A : memref<!tpu.dma_semaphore, #tpu.memory_space<semaphore_mem>>) src(%dma_wait3A_47 : memref<80x128xf32, #tpu.memory_space<vmem>>) dst(%dma_wait3A_44 : memref<80x128xf32, #tpu.memory_space<hbm>>)
        tpu.yield
      }) : () -> ()
      %scan3A_27 = arith.constant 0 : i32
      scf.yield %scan3A_27 : i32
    }
    %scan3A_8 = arith.constant 128 : i32
    return
  }
}

#map = affine_map<(d0, d1) -> (0, 0)>
#map1 = affine_map<(d0, d1) -> (0, 0, 0)>
module attributes {stable_mosaic.version = 14 : i64} {
  func.func @_scatter_body(%arg0: i32, %arg1: i32, %arg2: memref<327680x144xf32, #tpu.memory_space<hbm>>, %arg3: memref<2560x128xi32, #tpu.memory_space<hbm>>, %arg4: memref<640x144xf32, #tpu.memory_space<hbm>>, %arg5: memref<2x10240x144xf32, #tpu.memory_space<hbm>>, %arg6: memref<128xi32, #tpu.memory_space<vmem>>, %arg7: memref<128x144xf32, #tpu.memory_space<vmem>>, %arg8: memref<10240x144xf32, #tpu.memory_space<vmem_shared>>) attributes {dimension_semantics = [#tpu.dimension_semantics<core_parallel>, #tpu.dimension_semantics<subcore_parallel>], iteration_bounds = array<i64: 2, 16>, scalar_prefetch = 0 : i64, scratch_operands = 3 : i64, tpu.core_type = #tpu.core_type<sc_vector_subcore>, window_params = [{transform_indices = #map}, {transform_indices = #map}, {transform_indices = #map}, {transform_indices = #map1}]} {
    %mul3A = arith.constant 2 : i32
    %mul3A_0 = arith.muli %arg1, %mul3A : i32
    %add3A = arith.addi %mul3A_0, %arg0 : i32
    %mul3A_1 = arith.constant 80 : i32
    %mul3A_2 = arith.muli %add3A, %mul3A_1 : i32
    %mul3A_3 = arith.constant 640 : i32
    %mul3A_4 = arith.muli %arg1, %mul3A_3 : i32
    "tpu.region"() ({
      %run_scoped3A = tpu.sem_alloc : memref<!tpu.dma_semaphore, #tpu.memory_space<semaphore_mem>>
      %dma_start3A = arith.constant 0 : i32
      %dma_start3A_16 = tpu.memref_slice %arg8[%mul3A_4, %dma_start3A] : memref<10240x144xf32, #tpu.memory_space<vmem_shared>> -> memref<640x144xf32, #tpu.memory_space<vmem_shared>>
      tpu.enqueue_dma source(%arg4 : memref<640x144xf32, #tpu.memory_space<hbm>>) target(%dma_start3A_16 : memref<640x144xf32, #tpu.memory_space<vmem_shared>>) target_semaphore(%run_scoped3A : memref<!tpu.dma_semaphore, #tpu.memory_space<semaphore_mem>>)
      %dma_wait3A = arith.constant 0 : i32
      %dma_wait3A_17 = tpu.memref_slice %arg8[%mul3A_4, %dma_wait3A] : memref<10240x144xf32, #tpu.memory_space<vmem_shared>> -> memref<640x144xf32, #tpu.memory_space<vmem_shared>>
      tpu.wait_dma2 semaphore(%run_scoped3A : memref<!tpu.dma_semaphore, #tpu.memory_space<semaphore_mem>>) src(%arg4 : memref<640x144xf32, #tpu.memory_space<hbm>>) dst(%dma_wait3A_17 : memref<640x144xf32, #tpu.memory_space<vmem_shared>>)
      tpu.yield
    }) : () -> ()
    %barrier3A = arith.constant 0 : index
    tpu.barrier barrier_id(%barrier3A)
    %scan3A = arith.constant 0 : i32
    %scan3A_5 = arith.constant 0 : i32
    %scan3A_6 = arith.constant 80 : i32
    %scan3A_7 = arith.addi %scan3A_5, %scan3A_6 : i32
    %scan3A_8 = arith.constant 1 : i32
    %scan3A_9 = scf.for %scan3A_16 = %scan3A_5 to %scan3A_7 step %scan3A_8 iter_args(%scan3A_17 = %scan3A) -> (i32)  : i32 {
      %add3A_18 = arith.addi %mul3A_2, %scan3A_16 : i32
      %mul3A_19 = arith.constant 128 : i32
      %mul3A_20 = arith.muli %add3A_18, %mul3A_19 : i32
      "tpu.region"() ({
        %run_scoped3A = tpu.sem_alloc : memref<!tpu.dma_semaphore, #tpu.memory_space<semaphore_mem>>
        %dma_start3A = arith.constant 0 : i32
        %dma_start3A_22 = tpu.memref_slice %arg3[%add3A_18, %dma_start3A] : memref<2560x128xi32, #tpu.memory_space<hbm>> -> memref<1x128xi32, #tpu.memory_space<hbm>>
        %dma_start3A_23 = tpu.memref_squeeze %dma_start3A_22 : memref<1x128xi32, #tpu.memory_space<hbm>> -> memref<128xi32, #tpu.memory_space<hbm>>
        %dma_start3A_24 = arith.constant 0 : i32
        %dma_start3A_25 = tpu.memref_slice %arg3[%add3A_18, %dma_start3A_24] : memref<2560x128xi32, #tpu.memory_space<hbm>> -> memref<1x128xi32, #tpu.memory_space<hbm>>
        %dma_start3A_26 = tpu.memref_squeeze %dma_start3A_25 : memref<1x128xi32, #tpu.memory_space<hbm>> -> memref<128xi32, #tpu.memory_space<hbm>>
        tpu.enqueue_dma source(%dma_start3A_26 : memref<128xi32, #tpu.memory_space<hbm>>) target(%arg6 : memref<128xi32, #tpu.memory_space<vmem>>) target_semaphore(%run_scoped3A : memref<!tpu.dma_semaphore, #tpu.memory_space<semaphore_mem>>)
        %dma_wait3A = arith.constant 0 : i32
        %dma_wait3A_27 = tpu.memref_slice %arg3[%add3A_18, %dma_wait3A] : memref<2560x128xi32, #tpu.memory_space<hbm>> -> memref<1x128xi32, #tpu.memory_space<hbm>>
        %dma_wait3A_28 = tpu.memref_squeeze %dma_wait3A_27 : memref<1x128xi32, #tpu.memory_space<hbm>> -> memref<128xi32, #tpu.memory_space<hbm>>
        %dma_wait3A_29 = arith.constant 0 : i32
        %dma_wait3A_30 = tpu.memref_slice %arg3[%add3A_18, %dma_wait3A_29] : memref<2560x128xi32, #tpu.memory_space<hbm>> -> memref<1x128xi32, #tpu.memory_space<hbm>>
        %dma_wait3A_31 = tpu.memref_squeeze %dma_wait3A_30 : memref<1x128xi32, #tpu.memory_space<hbm>> -> memref<128xi32, #tpu.memory_space<hbm>>
        tpu.wait_dma2 semaphore(%run_scoped3A : memref<!tpu.dma_semaphore, #tpu.memory_space<semaphore_mem>>) src(%dma_wait3A_31 : memref<128xi32, #tpu.memory_space<hbm>>) dst(%arg6 : memref<128xi32, #tpu.memory_space<vmem>>)
        tpu.yield
      }) : () -> ()
      "tpu.region"() ({
        %run_scoped3A = tpu.sem_alloc : memref<!tpu.dma_semaphore, #tpu.memory_space<semaphore_mem>>
        %dma_start3A = arith.constant 0 : i32
        %dma_start3A_22 = tpu.memref_slice %arg2[%mul3A_20, %dma_start3A] : memref<327680x144xf32, #tpu.memory_space<hbm>> -> memref<128x144xf32, #tpu.memory_space<hbm>>
        %dma_start3A_23 = arith.constant 0 : i32
        %dma_start3A_24 = tpu.memref_slice %arg2[%mul3A_20, %dma_start3A_23] : memref<327680x144xf32, #tpu.memory_space<hbm>> -> memref<128x144xf32, #tpu.memory_space<hbm>>
        tpu.enqueue_dma source(%dma_start3A_24 : memref<128x144xf32, #tpu.memory_space<hbm>>) target(%arg7 : memref<128x144xf32, #tpu.memory_space<vmem>>) target_semaphore(%run_scoped3A : memref<!tpu.dma_semaphore, #tpu.memory_space<semaphore_mem>>)
        %dma_wait3A = arith.constant 0 : i32
        %dma_wait3A_25 = tpu.memref_slice %arg2[%mul3A_20, %dma_wait3A] : memref<327680x144xf32, #tpu.memory_space<hbm>> -> memref<128x144xf32, #tpu.memory_space<hbm>>
        %dma_wait3A_26 = arith.constant 0 : i32
        %dma_wait3A_27 = tpu.memref_slice %arg2[%mul3A_20, %dma_wait3A_26] : memref<327680x144xf32, #tpu.memory_space<hbm>> -> memref<128x144xf32, #tpu.memory_space<hbm>>
        tpu.wait_dma2 semaphore(%run_scoped3A : memref<!tpu.dma_semaphore, #tpu.memory_space<semaphore_mem>>) src(%dma_wait3A_27 : memref<128x144xf32, #tpu.memory_space<hbm>>) dst(%arg7 : memref<128x144xf32, #tpu.memory_space<vmem>>)
        tpu.yield
      }) : () -> ()
      "tpu.region"() ({
        %run_scoped3A = tpu.sem_alloc : memref<!tpu.dma_semaphore, #tpu.memory_space<semaphore_mem>>
        %dma_start3A = arith.constant 0 : i32
        %dma_start3A_22 = arith.constant 0 : i32
        %dma_start3A_23 = tpu.memref_slice %arg8[%dma_start3A, %dma_start3A_22] : memref<10240x144xf32, #tpu.memory_space<vmem_shared>> -> memref<10240x144xf32, #tpu.memory_space<vmem_shared>>
        tpu.enqueue_indirect_dma source(%arg7 : memref<128x144xf32, #tpu.memory_space<vmem>>) target(%dma_start3A_23 : memref<10240x144xf32, #tpu.memory_space<vmem_shared>>) offsets(%arg6 : memref<128xi32, #tpu.memory_space<vmem>>) semaphore(%run_scoped3A : memref<!tpu.dma_semaphore, #tpu.memory_space<semaphore_mem>>) {add = true}
        %dma_wait3A = arith.constant 0 : i32
        %dma_wait3A_24 = arith.constant 0 : i32
        %dma_wait3A_25 = tpu.memref_slice %arg8[%dma_wait3A, %dma_wait3A_24] : memref<10240x144xf32, #tpu.memory_space<vmem_shared>> -> memref<10240x144xf32, #tpu.memory_space<vmem_shared>>
        tpu.wait_indirect_dma semaphore(%run_scoped3A : memref<!tpu.dma_semaphore, #tpu.memory_space<semaphore_mem>>) src(%arg7 : memref<128x144xf32, #tpu.memory_space<vmem>>) dst(%dma_wait3A_25 : memref<10240x144xf32, #tpu.memory_space<vmem_shared>>)
        tpu.yield
      }) : () -> ()
      %scan3A_21 = arith.constant 0 : i32
      scf.yield %scan3A_21 : i32
    }
    %scan3A_10 = arith.constant 80 : i32
    %barrier3A_11 = arith.constant 0 : index
    tpu.barrier barrier_id(%barrier3A_11)
    %mul3A_12 = arith.constant 640 : i32
    %mul3A_13 = arith.muli %arg1, %mul3A_12 : i32
    %mul3A_14 = arith.constant 640 : i32
    %mul3A_15 = arith.muli %arg1, %mul3A_14 : i32
    "tpu.region"() ({
      %run_scoped3A = tpu.sem_alloc : memref<!tpu.dma_semaphore, #tpu.memory_space<semaphore_mem>>
      %dma_start3A = arith.constant 0 : i32
      %dma_start3A_16 = tpu.memref_slice %arg5[%arg0, %mul3A_15, %dma_start3A] : memref<2x10240x144xf32, #tpu.memory_space<hbm>> -> memref<1x640x144xf32, #tpu.memory_space<hbm>>
      %dma_start3A_17 = tpu.memref_squeeze %dma_start3A_16 : memref<1x640x144xf32, #tpu.memory_space<hbm>> -> memref<640x144xf32, #tpu.memory_space<hbm>>
      %dma_start3A_18 = arith.constant 0 : i32
      %dma_start3A_19 = tpu.memref_slice %arg8[%mul3A_13, %dma_start3A_18] : memref<10240x144xf32, #tpu.memory_space<vmem_shared>> -> memref<640x144xf32, #tpu.memory_space<vmem_shared>>
      tpu.enqueue_dma source(%dma_start3A_19 : memref<640x144xf32, #tpu.memory_space<vmem_shared>>) target(%dma_start3A_17 : memref<640x144xf32, #tpu.memory_space<hbm>>) target_semaphore(%run_scoped3A : memref<!tpu.dma_semaphore, #tpu.memory_space<semaphore_mem>>)
      %dma_wait3A = arith.constant 0 : i32
      %dma_wait3A_20 = tpu.memref_slice %arg5[%arg0, %mul3A_15, %dma_wait3A] : memref<2x10240x144xf32, #tpu.memory_space<hbm>> -> memref<1x640x144xf32, #tpu.memory_space<hbm>>
      %dma_wait3A_21 = tpu.memref_squeeze %dma_wait3A_20 : memref<1x640x144xf32, #tpu.memory_space<hbm>> -> memref<640x144xf32, #tpu.memory_space<hbm>>
      %dma_wait3A_22 = arith.constant 0 : i32
      %dma_wait3A_23 = tpu.memref_slice %arg8[%mul3A_13, %dma_wait3A_22] : memref<10240x144xf32, #tpu.memory_space<vmem_shared>> -> memref<640x144xf32, #tpu.memory_space<vmem_shared>>
      tpu.wait_dma2 semaphore(%run_scoped3A : memref<!tpu.dma_semaphore, #tpu.memory_space<semaphore_mem>>) src(%dma_wait3A_23 : memref<640x144xf32, #tpu.memory_space<vmem_shared>>) dst(%dma_wait3A_21 : memref<640x144xf32, #tpu.memory_space<hbm>>)
      tpu.yield
    }) : () -> ()
    return
  }
}

module attributes {stable_mosaic.version = 14 : i64} {
  func.func @_edge_block(%arg0: i32, %arg1: memref<2048x128xf32, #tpu.memory_space<vmem>>, %arg2: memref<2048x128xf32, #tpu.memory_space<vmem>>, %arg3: memref<128x128xf32, #tpu.memory_space<vmem>>, %arg4: memref<128x128xf32, #tpu.memory_space<vmem>>, %arg5: memref<1x128xf32, #tpu.memory_space<vmem>>, %arg6: memref<1x128xf32, #tpu.memory_space<vmem>>, %arg7: memref<128x128xf32, #tpu.memory_space<vmem>>, %arg8: memref<1x128xf32, #tpu.memory_space<vmem>>, %arg9: memref<128x128xf32, #tpu.memory_space<vmem>>, %arg10: memref<1x128xf32, #tpu.memory_space<vmem>>, %arg11: memref<1x128xf32, #tpu.memory_space<vmem>>, %arg12: memref<2048x144xf32, #tpu.memory_space<vmem>>) attributes {dimension_semantics = [#tpu.dimension_semantics<arbitrary>], iteration_bounds = array<i64: 160>, scalar_prefetch = 0 : i64, scratch_operands = 0 : i64, tpu.core_type = #tpu.core_type<tc>, window_params = [{transform_indices = @transform_0, window_bounds = array<i64: 2048, 128>}, {transform_indices = @transform_1, window_bounds = array<i64: 2048, 128>}, {pipeline_mode = #tpu.pipeline_mode<synchronous>, transform_indices = @transform_2, window_bounds = array<i64: 128, 128>}, {pipeline_mode = #tpu.pipeline_mode<synchronous>, transform_indices = @transform_3, window_bounds = array<i64: 128, 128>}, {pipeline_mode = #tpu.pipeline_mode<synchronous>, transform_indices = @transform_4, window_bounds = array<i64: 1, 128>}, {pipeline_mode = #tpu.pipeline_mode<synchronous>, transform_indices = @transform_5, window_bounds = array<i64: 1, 128>}, {pipeline_mode = #tpu.pipeline_mode<synchronous>, transform_indices = @transform_6, window_bounds = array<i64: 128, 128>}, {pipeline_mode = #tpu.pipeline_mode<synchronous>, transform_indices = @transform_7, window_bounds = array<i64: 1, 128>}, {pipeline_mode = #tpu.pipeline_mode<synchronous>, transform_indices = @transform_8, window_bounds = array<i64: 128, 128>}, {pipeline_mode = #tpu.pipeline_mode<synchronous>, transform_indices = @transform_9, window_bounds = array<i64: 1, 128>}, {pipeline_mode = #tpu.pipeline_mode<synchronous>, transform_indices = @transform_10, window_bounds = array<i64: 1, 128>}, {transform_indices = @transform_11, window_bounds = array<i64: 2048, 144>}]} {
    %get3A = arith.constant 0 : index
    %get3A_0 = arith.constant 0 : index
    %get3A_1 = vector.load %arg1[%get3A, %get3A_0] : memref<2048x128xf32, #tpu.memory_space<vmem>>, vector<2048x64xf32>
    %bitcast_convert_type3A = tpu.bitcast %get3A_1 : vector<2048x64xf32> -> vector<2048x64xi32>
    %shift_left3A = arith.constant 16 : i32
    %shift_left3A_2 = vector.broadcast %shift_left3A : i32 to vector<2048x64xi32>
    %shift_left3A_3 = arith.shli %bitcast_convert_type3A, %shift_left3A_2 : vector<2048x64xi32>
    %bitcast_convert_type3A_4 = tpu.bitcast %shift_left3A_3 : vector<2048x64xi32> -> vector<2048x64xf32>
    %and3A = arith.constant -65536 : i32
    %and3A_5 = vector.broadcast %and3A : i32 to vector<2048x64xi32>
    %and3A_6 = arith.andi %bitcast_convert_type3A, %and3A_5 : vector<2048x64xi32>
    %bitcast_convert_type3A_7 = tpu.bitcast %and3A_6 : vector<2048x64xi32> -> vector<2048x64xf32>
    %concatenate3A = tpu.concatenate %bitcast_convert_type3A_4, %bitcast_convert_type3A_7 in 1 : vector<2048x64xf32>, vector<2048x64xf32> -> vector<2048x128xf32>
    %convert_element_type3A = arith.truncf %concatenate3A : vector<2048x128xf32> to vector<2048x128xbf16>
    %get3A_8 = arith.constant 0 : index
    %get3A_9 = arith.constant 0 : index
    %get3A_10 = vector.load %arg2[%get3A_8, %get3A_9] : memref<2048x128xf32, #tpu.memory_space<vmem>>, vector<2048x64xf32>
    %bitcast_convert_type3A_11 = tpu.bitcast %get3A_10 : vector<2048x64xf32> -> vector<2048x64xi32>
    %shift_left3A_12 = arith.constant 16 : i32
    %shift_left3A_13 = vector.broadcast %shift_left3A_12 : i32 to vector<2048x64xi32>
    %shift_left3A_14 = arith.shli %bitcast_convert_type3A_11, %shift_left3A_13 : vector<2048x64xi32>
    %bitcast_convert_type3A_15 = tpu.bitcast %shift_left3A_14 : vector<2048x64xi32> -> vector<2048x64xf32>
    %and3A_16 = arith.constant -65536 : i32
    %and3A_17 = vector.broadcast %and3A_16 : i32 to vector<2048x64xi32>
    %and3A_18 = arith.andi %bitcast_convert_type3A_11, %and3A_17 : vector<2048x64xi32>
    %bitcast_convert_type3A_19 = tpu.bitcast %and3A_18 : vector<2048x64xi32> -> vector<2048x64xf32>
    %concatenate3A_20 = tpu.concatenate %bitcast_convert_type3A_15, %bitcast_convert_type3A_19 in 1 : vector<2048x64xf32>, vector<2048x64xf32> -> vector<2048x128xf32>
    %convert_element_type3A_21 = arith.truncf %concatenate3A_20 : vector<2048x128xf32> to vector<2048x128xbf16>
    %get3A_22 = arith.constant 0 : index
    %get3A_23 = arith.constant 64 : index
    %get3A_24 = vector.load %arg1[%get3A_22, %get3A_23] : memref<2048x128xf32, #tpu.memory_space<vmem>>, vector<2048x16xf32>
    %get3A_25 = arith.constant 0 : index
    %get3A_26 = arith.constant 64 : index
    %get3A_27 = vector.load %arg2[%get3A_25, %get3A_26] : memref<2048x128xf32, #tpu.memory_space<vmem>>, vector<2048x16xf32>
    %sub3A = arith.subf %get3A_24, %get3A_27 : vector<2048x16xf32>
    %mul3A = arith.mulf %sub3A, %sub3A : vector<2048x16xf32>
    %reduce_sum3A = arith.constant dense<0.000000e+00> : vector<2048xf32>
    %reduce_sum3A_28 = vector.multi_reduction <add>, %mul3A, %reduce_sum3A [1] : vector<2048x16xf32> to vector<2048xf32>
    %broadcast_in_dim3A = vector.shape_cast %reduce_sum3A_28 : vector<2048xf32> to vector<2048x1xf32>
    %sqrt3A = math.sqrt %broadcast_in_dim3A : vector<2048x1xf32>
    %add3A = arith.constant 9.99999993E-9 : f32
    %add3A_29 = vector.broadcast %add3A : f32 to vector<2048x1xf32>
    %add3A_30 = arith.addf %sqrt3A, %add3A_29 : vector<2048x1xf32>
    %div3A = vector.broadcast %add3A_30 : vector<2048x1xf32> to vector<2048x16xf32>
    %div3A_31 = arith.divf %sub3A, %div3A : vector<2048x16xf32>
    %get3A_32 = arith.constant 0 : index
    %get3A_33 = arith.constant 0 : index
    %get3A_34 = vector.load %arg3[%get3A_32, %get3A_33] : memref<128x128xf32, #tpu.memory_space<vmem>>, vector<128x128xf32>
    %convert_element_type3A_35 = arith.truncf %get3A_34 : vector<128x128xf32> to vector<128x128xbf16>
    %dot_general3A = arith.constant dense<0.000000e+00> : vector<2048x128xf32>
    %dot_general3A_36 = tpu.matmul %convert_element_type3A, %convert_element_type3A_35, %dot_general3A {dimension_numbers = #tpu.dot_dimension_numbers<[1], [0], [0], [1], [0, 0, 1, 1], [], []>, transpose_lhs_hint = false} : vector<2048x128xbf16>, vector<128x128xbf16>, vector<2048x128xf32> -> vector<2048x128xf32>
    %get3A_37 = arith.constant 0 : index
    %get3A_38 = arith.constant 0 : index
    %get3A_39 = vector.load %arg4[%get3A_37, %get3A_38] : memref<128x128xf32, #tpu.memory_space<vmem>>, vector<128x128xf32>
    %convert_element_type3A_40 = arith.truncf %get3A_39 : vector<128x128xf32> to vector<128x128xbf16>
    %dot_general3A_41 = arith.constant dense<0.000000e+00> : vector<2048x128xf32>
    %dot_general3A_42 = tpu.matmul %convert_element_type3A_21, %convert_element_type3A_40, %dot_general3A_41 {dimension_numbers = #tpu.dot_dimension_numbers<[1], [0], [0], [1], [0, 0, 1, 1], [], []>, transpose_lhs_hint = false} : vector<2048x128xbf16>, vector<128x128xbf16>, vector<2048x128xf32> -> vector<2048x128xf32>
    %add3A_43 = arith.addf %dot_general3A_36, %dot_general3A_42 : vector<2048x128xf32>
    %get3A_44 = arith.constant 0 : index
    %get3A_45 = arith.constant 0 : index
    %get3A_46 = vector.load %arg5[%get3A_44, %get3A_45] : memref<1x128xf32, #tpu.memory_space<vmem>>, vector<1x128xf32>
    %mul3A_47 = vector.broadcast %broadcast_in_dim3A : vector<2048x1xf32> to vector<2048x128xf32>
    %mul3A_48 = vector.broadcast %get3A_46 : vector<1x128xf32> to vector<2048x128xf32>
    %mul3A_49 = arith.mulf %mul3A_47, %mul3A_48 : vector<2048x128xf32>
    %add3A_50 = arith.addf %add3A_43, %mul3A_49 : vector<2048x128xf32>
    %get3A_51 = arith.constant 0 : index
    %get3A_52 = arith.constant 0 : index
    %get3A_53 = vector.load %arg6[%get3A_51, %get3A_52] : memref<1x128xf32, #tpu.memory_space<vmem>>, vector<1x128xf32>
    %add3A_54 = vector.broadcast %get3A_53 : vector<1x128xf32> to vector<2048x128xf32>
    %add3A_55 = arith.addf %add3A_50, %add3A_54 : vector<2048x128xf32>
    %logistic3A = arith.negf %add3A_55 : vector<2048x128xf32>
    %logistic3A_56 = math.exp %logistic3A : vector<2048x128xf32>
    %logistic3A_57 = arith.constant 1.000000e+00 : f32
    %logistic3A_58 = vector.broadcast %logistic3A_57 : f32 to vector<2048x128xf32>
    %logistic3A_59 = arith.addf %logistic3A_58, %logistic3A_56 : vector<2048x128xf32>
    %logistic3A_60 = arith.divf %logistic3A_58, %logistic3A_59 : vector<2048x128xf32>
    %mul3A_61 = arith.mulf %add3A_55, %logistic3A_60 : vector<2048x128xf32>
    %convert_element_type3A_62 = arith.truncf %mul3A_61 : vector<2048x128xf32> to vector<2048x128xbf16>
    %get3A_63 = arith.constant 0 : index
    %get3A_64 = arith.constant 0 : index
    %get3A_65 = vector.load %arg7[%get3A_63, %get3A_64] : memref<128x128xf32, #tpu.memory_space<vmem>>, vector<128x128xf32>
    %convert_element_type3A_66 = arith.truncf %get3A_65 : vector<128x128xf32> to vector<128x128xbf16>
    %dot_general3A_67 = arith.constant dense<0.000000e+00> : vector<2048x128xf32>
    %dot_general3A_68 = tpu.matmul %convert_element_type3A_62, %convert_element_type3A_66, %dot_general3A_67 {dimension_numbers = #tpu.dot_dimension_numbers<[1], [0], [0], [1], [0, 0, 1, 1], [], []>, transpose_lhs_hint = false} : vector<2048x128xbf16>, vector<128x128xbf16>, vector<2048x128xf32> -> vector<2048x128xf32>
    %get3A_69 = arith.constant 0 : index
    %get3A_70 = arith.constant 0 : index
    %get3A_71 = vector.load %arg8[%get3A_69, %get3A_70] : memref<1x128xf32, #tpu.memory_space<vmem>>, vector<1x128xf32>
    %add3A_72 = vector.broadcast %get3A_71 : vector<1x128xf32> to vector<2048x128xf32>
    %add3A_73 = arith.addf %dot_general3A_68, %add3A_72 : vector<2048x128xf32>
    %logistic3A_74 = arith.negf %add3A_73 : vector<2048x128xf32>
    %logistic3A_75 = math.exp %logistic3A_74 : vector<2048x128xf32>
    %logistic3A_76 = arith.constant 1.000000e+00 : f32
    %logistic3A_77 = vector.broadcast %logistic3A_76 : f32 to vector<2048x128xf32>
    %logistic3A_78 = arith.addf %logistic3A_77, %logistic3A_75 : vector<2048x128xf32>
    %logistic3A_79 = arith.divf %logistic3A_77, %logistic3A_78 : vector<2048x128xf32>
    %mul3A_80 = arith.mulf %add3A_73, %logistic3A_79 : vector<2048x128xf32>
    %convert_element_type3A_81 = arith.truncf %mul3A_80 : vector<2048x128xf32> to vector<2048x128xbf16>
    %get3A_82 = arith.constant 0 : index
    %get3A_83 = arith.constant 0 : index
    %get3A_84 = vector.load %arg9[%get3A_82, %get3A_83] : memref<128x128xf32, #tpu.memory_space<vmem>>, vector<128x128xf32>
    %convert_element_type3A_85 = arith.truncf %get3A_84 : vector<128x128xf32> to vector<128x128xbf16>
    %dot_general3A_86 = arith.constant dense<0.000000e+00> : vector<2048x128xf32>
    %dot_general3A_87 = tpu.matmul %convert_element_type3A_81, %convert_element_type3A_85, %dot_general3A_86 {dimension_numbers = #tpu.dot_dimension_numbers<[1], [0], [0], [1], [0, 0, 1, 1], [], []>, transpose_lhs_hint = false} : vector<2048x128xbf16>, vector<128x128xbf16>, vector<2048x128xf32> -> vector<2048x128xf32>
    %get3A_88 = arith.constant 0 : index
    %get3A_89 = arith.constant 0 : index
    %get3A_90 = vector.load %arg10[%get3A_88, %get3A_89] : memref<1x128xf32, #tpu.memory_space<vmem>>, vector<1x128xf32>
    %add3A_91 = vector.broadcast %get3A_90 : vector<1x128xf32> to vector<2048x128xf32>
    %add3A_92 = arith.addf %dot_general3A_87, %add3A_91 : vector<2048x128xf32>
    %logistic3A_93 = arith.negf %add3A_92 : vector<2048x128xf32>
    %logistic3A_94 = math.exp %logistic3A_93 : vector<2048x128xf32>
    %logistic3A_95 = arith.constant 1.000000e+00 : f32
    %logistic3A_96 = vector.broadcast %logistic3A_95 : f32 to vector<2048x128xf32>
    %logistic3A_97 = arith.addf %logistic3A_96, %logistic3A_94 : vector<2048x128xf32>
    %logistic3A_98 = arith.divf %logistic3A_96, %logistic3A_97 : vector<2048x128xf32>
    %mul3A_99 = arith.mulf %add3A_92, %logistic3A_98 : vector<2048x128xf32>
    %get3A_100 = arith.constant 0 : index
    %get3A_101 = arith.constant 0 : index
    %get3A_102 = vector.load %arg11[%get3A_100, %get3A_101] : memref<1x128xf32, #tpu.memory_space<vmem>>, vector<1x128xf32>
    %mul3A_103 = vector.broadcast %get3A_102 : vector<1x128xf32> to vector<2048x128xf32>
    %mul3A_104 = arith.mulf %mul3A_99, %mul3A_103 : vector<2048x128xf32>
    %reduce_sum3A_105 = arith.constant dense<0.000000e+00> : vector<2048xf32>
    %reduce_sum3A_106 = vector.multi_reduction <add>, %mul3A_104, %reduce_sum3A_105 [1] : vector<2048x128xf32> to vector<2048xf32>
    %broadcast_in_dim3A_107 = vector.shape_cast %reduce_sum3A_106 : vector<2048xf32> to vector<2048x1xf32>
    %swap3A = arith.constant 0 : index
    %swap3A_108 = arith.constant 0 : index
    %swap3A_109 = vector.load %arg12[%swap3A, %swap3A_108] : memref<2048x144xf32, #tpu.memory_space<vmem>>, vector<2048x128xf32>
    tpu.vector_store %arg12[%swap3A, %swap3A_108], %mul3A_80 {strides = array<i32>} : memref<2048x144xf32, #tpu.memory_space<vmem>>, vector<2048x128xf32>,
    %mul3A_110 = vector.broadcast %broadcast_in_dim3A_107 : vector<2048x1xf32> to vector<2048x16xf32>
    %mul3A_111 = arith.mulf %div3A_31, %mul3A_110 : vector<2048x16xf32>
    %swap3A_112 = arith.constant 0 : index
    %swap3A_113 = arith.constant 128 : index
    %swap3A_114 = vector.load %arg12[%swap3A_112, %swap3A_113] : memref<2048x144xf32, #tpu.memory_space<vmem>>, vector<2048x16xf32>
    tpu.vector_store %arg12[%swap3A_112, %swap3A_113], %mul3A_111 {strides = array<i32>} : memref<2048x144xf32, #tpu.memory_space<vmem>>, vector<2048x16xf32>,
    return
  }
  func.func @transform_0(%arg0: i32) -> (i32, i32) {
    %c0_i32 = arith.constant 0 : i32
    %c0_i32_0 = arith.constant 0 : i32
    return %arg0, %c0_i32 : i32, i32
  }
  func.func @transform_1(%arg0: i32) -> (i32, i32) {
    %c0_i32 = arith.constant 0 : i32
    %c0_i32_0 = arith.constant 0 : i32
    return %arg0, %c0_i32 : i32, i32
  }
  func.func @transform_2(%arg0: i32) -> (i32, i32) {
    %c0_i32 = arith.constant 0 : i32
    %c0_i32_0 = arith.constant 0 : i32
    %c0_i32_1 = arith.constant 0 : i32
    return %c0_i32, %c0_i32_0 : i32, i32
  }
  func.func @transform_3(%arg0: i32) -> (i32, i32) {
    %c0_i32 = arith.constant 0 : i32
    %c0_i32_0 = arith.constant 0 : i32
    %c0_i32_1 = arith.constant 0 : i32
    return %c0_i32, %c0_i32_0 : i32, i32
  }
  func.func @transform_4(%arg0: i32) -> (i32, i32) {
    %c0_i32 = arith.constant 0 : i32
    %c0_i32_0 = arith.constant 0 : i32
    %c0_i32_1 = arith.constant 0 : i32
    return %c0_i32, %c0_i32_0 : i32, i32
  }
  func.func @transform_5(%arg0: i32) -> (i32, i32) {
    %c0_i32 = arith.constant 0 : i32
    %c0_i32_0 = arith.constant 0 : i32
    %c0_i32_1 = arith.constant 0 : i32
    return %c0_i32, %c0_i32_0 : i32, i32
  }
  func.func @transform_6(%arg0: i32) -> (i32, i32) {
    %c0_i32 = arith.constant 0 : i32
    %c0_i32_0 = arith.constant 0 : i32
    %c0_i32_1 = arith.constant 0 : i32
    return %c0_i32, %c0_i32_0 : i32, i32
  }
  func.func @transform_7(%arg0: i32) -> (i32, i32) {
    %c0_i32 = arith.constant 0 : i32
    %c0_i32_0 = arith.constant 0 : i32
    %c0_i32_1 = arith.constant 0 : i32
    return %c0_i32, %c0_i32_0 : i32, i32
  }
  func.func @transform_8(%arg0: i32) -> (i32, i32) {
    %c0_i32 = arith.constant 0 : i32
    %c0_i32_0 = arith.constant 0 : i32
    %c0_i32_1 = arith.constant 0 : i32
    return %c0_i32, %c0_i32_0 : i32, i32
  }
  func.func @transform_9(%arg0: i32) -> (i32, i32) {
    %c0_i32 = arith.constant 0 : i32
    %c0_i32_0 = arith.constant 0 : i32
    %c0_i32_1 = arith.constant 0 : i32
    return %c0_i32, %c0_i32_0 : i32, i32
  }
  func.func @transform_10(%arg0: i32) -> (i32, i32) {
    %c0_i32 = arith.constant 0 : i32
    %c0_i32_0 = arith.constant 0 : i32
    %c0_i32_1 = arith.constant 0 : i32
    return %c0_i32, %c0_i32_0 : i32, i32
  }
  func.func @transform_11(%arg0: i32) -> (i32, i32) {
    %c0_i32 = arith.constant 0 : i32
    %c0_i32_0 = arith.constant 0 : i32
    return %arg0, %c0_i32 : i32, i32
  }
}

module attributes {stable_mosaic.version = 14 : i64} {
  func.func @_node_block(%arg0: i32, %arg1: memref<2000x128xf32, #tpu.memory_space<vmem>>, %arg2: memref<2000x16xf32, #tpu.memory_space<vmem>>, %arg3: memref<2x2000x144xf32, #tpu.memory_space<vmem>>, %arg4: memref<128x128xf32, #tpu.memory_space<vmem>>, %arg5: memref<128x128xf32, #tpu.memory_space<vmem>>, %arg6: memref<1x128xf32, #tpu.memory_space<vmem>>, %arg7: memref<128x128xf32, #tpu.memory_space<vmem>>, %arg8: memref<1x128xf32, #tpu.memory_space<vmem>>, %arg9: memref<2000x128xf32, #tpu.memory_space<vmem>>, %arg10: memref<2000x16xf32, #tpu.memory_space<vmem>>) attributes {dimension_semantics = [#tpu.dimension_semantics<arbitrary>], iteration_bounds = array<i64: 5>, scalar_prefetch = 0 : i64, scratch_operands = 0 : i64, tpu.core_type = #tpu.core_type<tc>, window_params = [{transform_indices = @transform_0, window_bounds = array<i64: 2000, 128>}, {transform_indices = @transform_1, window_bounds = array<i64: 2000, 16>}, {transform_indices = @transform_2, window_bounds = array<i64: 2, 2000, 144>}, {pipeline_mode = #tpu.pipeline_mode<synchronous>, transform_indices = @transform_3, window_bounds = array<i64: 128, 128>}, {pipeline_mode = #tpu.pipeline_mode<synchronous>, transform_indices = @transform_4, window_bounds = array<i64: 128, 128>}, {pipeline_mode = #tpu.pipeline_mode<synchronous>, transform_indices = @transform_5, window_bounds = array<i64: 1, 128>}, {pipeline_mode = #tpu.pipeline_mode<synchronous>, transform_indices = @transform_6, window_bounds = array<i64: 128, 128>}, {pipeline_mode = #tpu.pipeline_mode<synchronous>, transform_indices = @transform_7, window_bounds = array<i64: 1, 128>}, {transform_indices = @transform_8, window_bounds = array<i64: 2000, 128>}, {transform_indices = @transform_9, window_bounds = array<i64: 2000, 16>}]} {
    %get3A = arith.constant 0 : index
    %get3A_0 = arith.constant 0 : index
    %get3A_1 = arith.constant 0 : index
    %get3A_2 = vector.load %arg3[%get3A, %get3A_0, %get3A_1] : memref<2x2000x144xf32, #tpu.memory_space<vmem>>, vector<1x2000x144xf32>
    %get3A_3 = vector.shape_cast %get3A_2 : vector<1x2000x144xf32> to vector<2000x144xf32>
    %get3A_4 = arith.constant 1 : index
    %get3A_5 = arith.constant 0 : index
    %get3A_6 = arith.constant 0 : index
    %get3A_7 = vector.load %arg3[%get3A_4, %get3A_5, %get3A_6] : memref<2x2000x144xf32, #tpu.memory_space<vmem>>, vector<1x2000x144xf32>
    %get3A_8 = vector.shape_cast %get3A_7 : vector<1x2000x144xf32> to vector<2000x144xf32>
    %add3A = arith.addf %get3A_3, %get3A_8 : vector<2000x144xf32>
    %slice3A = vector.extract_strided_slice %add3A {offsets = [0, 0], sizes = [2000, 128], strides = [1, 1]} : vector<2000x144xf32> to vector<2000x128xf32>
    %get3A_9 = arith.constant 0 : index
    %get3A_10 = arith.constant 0 : index
    %get3A_11 = vector.load %arg1[%get3A_9, %get3A_10] : memref<2000x128xf32, #tpu.memory_space<vmem>>, vector<2000x128xf32>
    %convert_element_type3A = arith.truncf %get3A_11 : vector<2000x128xf32> to vector<2000x128xbf16>
    %get3A_12 = arith.constant 0 : index
    %get3A_13 = arith.constant 0 : index
    %get3A_14 = vector.load %arg4[%get3A_12, %get3A_13] : memref<128x128xf32, #tpu.memory_space<vmem>>, vector<128x128xf32>
    %convert_element_type3A_15 = arith.truncf %get3A_14 : vector<128x128xf32> to vector<128x128xbf16>
    %dot_general3A = arith.constant dense<0.000000e+00> : vector<2000x128xf32>
    %dot_general3A_16 = tpu.matmul %convert_element_type3A, %convert_element_type3A_15, %dot_general3A {dimension_numbers = #tpu.dot_dimension_numbers<[1], [0], [0], [1], [0, 0, 1, 1], [], []>, transpose_lhs_hint = false} : vector<2000x128xbf16>, vector<128x128xbf16>, vector<2000x128xf32> -> vector<2000x128xf32>
    %convert_element_type3A_17 = arith.truncf %slice3A : vector<2000x128xf32> to vector<2000x128xbf16>
    %get3A_18 = arith.constant 0 : index
    %get3A_19 = arith.constant 0 : index
    %get3A_20 = vector.load %arg5[%get3A_18, %get3A_19] : memref<128x128xf32, #tpu.memory_space<vmem>>, vector<128x128xf32>
    %convert_element_type3A_21 = arith.truncf %get3A_20 : vector<128x128xf32> to vector<128x128xbf16>
    %dot_general3A_22 = arith.constant dense<0.000000e+00> : vector<2000x128xf32>
    %dot_general3A_23 = tpu.matmul %convert_element_type3A_17, %convert_element_type3A_21, %dot_general3A_22 {dimension_numbers = #tpu.dot_dimension_numbers<[1], [0], [0], [1], [0, 0, 1, 1], [], []>, transpose_lhs_hint = false} : vector<2000x128xbf16>, vector<128x128xbf16>, vector<2000x128xf32> -> vector<2000x128xf32>
    %add3A_24 = arith.addf %dot_general3A_16, %dot_general3A_23 : vector<2000x128xf32>
    %get3A_25 = arith.constant 0 : index
    %get3A_26 = arith.constant 0 : index
    %get3A_27 = vector.load %arg6[%get3A_25, %get3A_26] : memref<1x128xf32, #tpu.memory_space<vmem>>, vector<1x128xf32>
    %add3A_28 = vector.broadcast %get3A_27 : vector<1x128xf32> to vector<2000x128xf32>
    %add3A_29 = arith.addf %add3A_24, %add3A_28 : vector<2000x128xf32>
    %logistic3A = arith.negf %add3A_29 : vector<2000x128xf32>
    %logistic3A_30 = math.exp %logistic3A : vector<2000x128xf32>
    %logistic3A_31 = arith.constant 1.000000e+00 : f32
    %logistic3A_32 = vector.broadcast %logistic3A_31 : f32 to vector<2000x128xf32>
    %logistic3A_33 = arith.addf %logistic3A_32, %logistic3A_30 : vector<2000x128xf32>
    %logistic3A_34 = arith.divf %logistic3A_32, %logistic3A_33 : vector<2000x128xf32>
    %mul3A = arith.mulf %add3A_29, %logistic3A_34 : vector<2000x128xf32>
    %convert_element_type3A_35 = arith.truncf %mul3A : vector<2000x128xf32> to vector<2000x128xbf16>
    %get3A_36 = arith.constant 0 : index
    %get3A_37 = arith.constant 0 : index
    %get3A_38 = vector.load %arg7[%get3A_36, %get3A_37] : memref<128x128xf32, #tpu.memory_space<vmem>>, vector<128x128xf32>
    %convert_element_type3A_39 = arith.truncf %get3A_38 : vector<128x128xf32> to vector<128x128xbf16>
    %dot_general3A_40 = arith.constant dense<0.000000e+00> : vector<2000x128xf32>
    %dot_general3A_41 = tpu.matmul %convert_element_type3A_35, %convert_element_type3A_39, %dot_general3A_40 {dimension_numbers = #tpu.dot_dimension_numbers<[1], [0], [0], [1], [0, 0, 1, 1], [], []>, transpose_lhs_hint = false} : vector<2000x128xbf16>, vector<128x128xbf16>, vector<2000x128xf32> -> vector<2000x128xf32>
    %get3A_42 = arith.constant 0 : index
    %get3A_43 = arith.constant 0 : index
    %get3A_44 = vector.load %arg8[%get3A_42, %get3A_43] : memref<1x128xf32, #tpu.memory_space<vmem>>, vector<1x128xf32>
    %add3A_45 = vector.broadcast %get3A_44 : vector<1x128xf32> to vector<2000x128xf32>
    %add3A_46 = arith.addf %dot_general3A_41, %add3A_45 : vector<2000x128xf32>
    %add3A_47 = arith.addf %get3A_11, %add3A_46 : vector<2000x128xf32>
    %swap3A = arith.constant 0 : index
    %swap3A_48 = arith.constant 0 : index
    %swap3A_49 = vector.load %arg9[%swap3A, %swap3A_48] : memref<2000x128xf32, #tpu.memory_space<vmem>>, vector<2000x128xf32>
    tpu.vector_store %arg9[%swap3A, %swap3A_48], %add3A_47 {strides = array<i32>} : memref<2000x128xf32, #tpu.memory_space<vmem>>, vector<2000x128xf32>,
    %get3A_50 = arith.constant 0 : index
    %get3A_51 = arith.constant 0 : index
    %get3A_52 = vector.load %arg2[%get3A_50, %get3A_51] : memref<2000x16xf32, #tpu.memory_space<vmem>>, vector<2000x16xf32>
    %slice3A_53 = vector.extract_strided_slice %add3A {offsets = [0, 128], sizes = [2000, 16], strides = [1, 1]} : vector<2000x144xf32> to vector<2000x16xf32>
    %add3A_54 = arith.addf %get3A_52, %slice3A_53 : vector<2000x16xf32>
    %swap3A_55 = arith.constant 0 : index
    %swap3A_56 = arith.constant 0 : index
    %swap3A_57 = vector.load %arg10[%swap3A_55, %swap3A_56] : memref<2000x16xf32, #tpu.memory_space<vmem>>, vector<2000x16xf32>
    tpu.vector_store %arg10[%swap3A_55, %swap3A_56], %add3A_54 {strides = array<i32>} : memref<2000x16xf32, #tpu.memory_space<vmem>>, vector<2000x16xf32>,
    return
  }
  func.func @transform_0(%arg0: i32) -> (i32, i32) {
    %c0_i32 = arith.constant 0 : i32
    %c0_i32_0 = arith.constant 0 : i32
    return %arg0, %c0_i32 : i32, i32
  }
  func.func @transform_1(%arg0: i32) -> (i32, i32) {
    %c0_i32 = arith.constant 0 : i32
    %c0_i32_0 = arith.constant 0 : i32
    return %arg0, %c0_i32 : i32, i32
  }
  func.func @transform_2(%arg0: i32) -> (i32, i32, i32) {
    %c0_i32 = arith.constant 0 : i32
    %c0_i32_0 = arith.constant 0 : i32
    %c0_i32_1 = arith.constant 0 : i32
    return %c0_i32, %arg0, %c0_i32_0 : i32, i32, i32
  }
  func.func @transform_3(%arg0: i32) -> (i32, i32) {
    %c0_i32 = arith.constant 0 : i32
    %c0_i32_0 = arith.constant 0 : i32
    %c0_i32_1 = arith.constant 0 : i32
    return %c0_i32, %c0_i32_0 : i32, i32
  }
  func.func @transform_4(%arg0: i32) -> (i32, i32) {
    %c0_i32 = arith.constant 0 : i32
    %c0_i32_0 = arith.constant 0 : i32
    %c0_i32_1 = arith.constant 0 : i32
    return %c0_i32, %c0_i32_0 : i32, i32
  }
  func.func @transform_5(%arg0: i32) -> (i32, i32) {
    %c0_i32 = arith.constant 0 : i32
    %c0_i32_0 = arith.constant 0 : i32
    %c0_i32_1 = arith.constant 0 : i32
    return %c0_i32, %c0_i32_0 : i32, i32
  }
  func.func @transform_6(%arg0: i32) -> (i32, i32) {
    %c0_i32 = arith.constant 0 : i32
    %c0_i32_0 = arith.constant 0 : i32
    %c0_i32_1 = arith.constant 0 : i32
    return %c0_i32, %c0_i32_0 : i32, i32
  }
  func.func @transform_7(%arg0: i32) -> (i32, i32) {
    %c0_i32 = arith.constant 0 : i32
    %c0_i32_0 = arith.constant 0 : i32
    %c0_i32_1 = arith.constant 0 : i32
    return %c0_i32, %c0_i32_0 : i32, i32
  }
  func.func @transform_8(%arg0: i32) -> (i32, i32) {
    %c0_i32 = arith.constant 0 : i32
    %c0_i32_0 = arith.constant 0 : i32
    return %arg0, %c0_i32 : i32, i32
  }
  func.func @transform_9(%arg0: i32) -> (i32, i32) {
    %c0_i32 = arith.constant 0 : i32
    %c0_i32_0 = arith.constant 0 : i32
    return %arg0, %c0_i32 : i32, i32
  }
}

</mosaic_0001>

<sc_bundles>
// kernel: kernel.6.cloned.1.call-start
scs
__scs_entry_jumppad:
0x0: {  	(pc) =	sbr.rel $0x88, $3  }
0x1: {  	(tag) =	ssettag $0x0;
	lr =	simm.s32 $0x1  }
0x2: {  	[smem:$0x3F93] =	sst lr;
	_ =	strace $0xD0000000  }
0x3: {  	_ = 	snop  }
0x4: {  	_ = 	snop  }
0x5: {  	_ = 	snop  }
0x6: {  	_ = 	snop  }
0x7: {  	_ = 	snop  }
__scs_overlays_trampoline_lowered:
0x8: {  	[smem:$0x3FA2] =	sst s0  }
0x9: {  	[smem:$0x3FA3] =	sst s1  }
0xa: {  	[smem:$0x3FA4] =	sst s2  }
0xb: {  	[smem:$0x3FA5] =	sst s3  }
0xc: {  	[smem:$0x3FA6] =	sst s4  }
0xd: {  	[smem:$0x3FA7] =	sst s5  }
0xe: {  	[smem:$0x3FA8] =	sst s6  }
0xf: {  	[smem:$0x3FA9] =	sst s7  }
0x10: {  	[smem:$0x3FAA] =	sst s8  }
0x11: {  	[smem:$0x3FAB] =	sst s9;
	s0 =	simm.s32 @!p0 $0x0  }
0x12: {  	s1 =	sld [smem:$0x3F91];
	s0 =	simm.s32 @p0 $0x1  }
0x13: {  	[smem:$0x3FAC] =	sst s0;
	s0 =	simm.s32 @!p1 $0x0  }
0x14: {  	s2 =	sld [smem:$0x3F90];
	s0 =	simm.s32 @p1 $0x1  }
0x15: {  	[smem:$0x3FAD] =	sst s0;
	s0 =	simm.s32 @!p2 $0x0  }
0x16: {  	s3 =	sld [smem:$0x3FDB];
	s0 =	simm.s32 @p2 $0x1  }
0x17: {  	s4 =	simm.s32 $0x1BF5;
	[smem:$0x3FAF] =	sst s0  }
0x18: {  	s0 =	sld [smem:$0x3F92];
	_ =	swait.ge [sflag:s4], $0x0  }
0x19: {  	s7 =	sld [smem:$0x3F93]  }
0x1a: {  	s8 =	sadd.s32 $0xFFFFE003, lr  }
0x1b: {  	s9 =	sadd.s32 $0xFFFFFEF7, lr;
	s5 =	simm.s32 $0xFFFFFFFF;
	p2 =	slt.u32 s8, $0xFFFFF086  }
0x1c: {  	p1 =	slt.u32 s9, $0xF7A;
	s5 =	simm.s32 @!p2 $0x0  }
0x1d: {  	s5 =	simm.s32 @p1 $0x1;
	p0 =	seq.s32 s7, s2  }
0x1e: {  	s7 =	smul.u32 @!p0 $0xF7A, s2;
	p2 =	seq.s32 @!p0 s5, $0x0  }
0x1f: {  	s9 =	smul.u32 $0xF7A, s1;
	s8 =	simm.s32 @!p0 $0x1BF5;
	p2 =	por !p2, p0  }
0x20: {  	[sflag:s8] =	ssyncset.s32 @!p0 $0xFFFFF086;
	s6 =	sadd.s32 @!p0 s3, s7;
	s7 =	simm.s32 @!p0 $0x108  }
0x21: {  	s3 =	sadd.s32 s3, s9;
	s6 =	sadd.s32 @!p0 $0x88, s6;
	s7 =	simm.s32 @p2 $0x1082  }
0x22: {  	[simem:s7], [sflag:s8] =	dma.local @!p0 [hbm:s6], $0xF7A  }
0x23: {  	s9 =	sor.u32 $0xD0000000, s2;
	s6 =	simm.s32 $0x108;
	_ =	swait.ge @!p0 [sflag:s8], $0x0  }
0x24: {  	s3 =	sadd.s32 $0x88, s3;
	s6 =	simm.s32 @!p1 $0x1082;
	[sflag:s4] =	ssyncset.s32 $0xFFFFF086  }
0x25: {  	[simem:s6], [sflag:s4] =	dma.local [hbm:s3], $0xF7A  }
0x26: {  	[smem:$0x3F93] =	sst s1;
	(tag) =	ssettag s2;
	_ =	strace s9  }
0x27: {  	s1 =	sld [smem:$0x3FA3]  }
0x28: {  	s2 =	sld [smem:$0x3FA4]  }
0x29: {  	s4 =	sld [smem:$0x3FA6]  }
0x2a: {  	p0 =	seq.s32 s5, $0x0;
	s5 =	sld [smem:$0x3FA7]  }
0x2b: {  	s6 =	sld [smem:$0x3FA8]  }
0x2c: {  	s7 =	sld [smem:$0x3FA9]  }
0x2d: {  	s3 =	simm.s32 $0x108;
	s8 =	sld [smem:$0x3FAA]  }
0x2e: {  	s3 =	simm.s32 @!p0 $0x1082;
	s9 =	sld [smem:$0x3FAB]  }
0x2f: {  	lr =	sadd.s32 s0, s3;
	s0 =	sld [smem:$0x3FA2]  }
0x30: {  	s3 =	sld [smem:$0x3FA5]  }
0x31: {  	[smem:$0x3FAE] =	sst s10  }
0x32: {  	s10 =	sld [smem:$0x3FAC];
	_ =	sdelay $0x3  }
0x33: {  	p0 =	seq.s32 s10, $0x1;
	s10 =	sld [smem:$0x3FAE];
	_ =	sdelay $0x3  }
0x34: {  	[smem:$0x3FAE] =	sst s10  }
0x35: {  	s10 =	sld [smem:$0x3FAD];
	_ =	sdelay $0x3  }
0x36: {  	p1 =	seq.s32 s10, $0x1;
	s10 =	sld [smem:$0x3FAE];
	_ =	sdelay $0x3  }
0x37: {  	[smem:$0x3FAE] =	sst s10  }
0x38: {  	s10 =	sld [smem:$0x3FAF]  }
0x39: {  	_ = 	snop;
	(pc) =	sbr.ind lr, $3  }
0x3a: {  	_ = 	snop  }
0x3b: {  	_ = 	snop  }
0x3c: {  	p2 =	seq.s32 s10, $0x1;
	s10 =	sld [smem:$0x3FAE]  }
0x3d: {  	_ =	shalt  }
0x3e: {  	_ =	shalt  }
0x3f: {  	_ =	shalt  }
0x40: {  	_ =	shalt  }
0x41: {  	_ =	shalt  }
0x42: {  	_ =	shalt  }
0x43: {  	_ =	shalt  }
0x44: {  	_ =	shalt  }
0x45: {  	_ =	shalt  }
0x46: {  	_ =	shalt  }
0x47: {  	_ =	shalt  }
0x48: {  	_ =	shalt  }
0x49: {  	_ =	shalt  }
0x4a: {  	_ =	shalt  }
0x4b: {  	_ =	shalt  }
0x4c: {  	_ =	shalt  }
0x4d: {  	_ =	shalt  }
0x4e: {  	_ =	shalt  }
0x4f: {  	_ =	shalt  }
0x50: {  	_ =	shalt  }
0x51: {  	_ =	shalt  }
0x52: {  	_ =	shalt  }
0x53: {  	_ =	shalt  }
0x54: {  	_ =	shalt  }
0x55: {  	_ =	shalt  }
0x56: {  	_ =	shalt  }
0x57: {  	_ =	shalt  }
0x58: {  	_ =	shalt  }
0x59: {  	_ =	shalt  }
0x5a: {  	_ =	shalt  }
0x5b: {  	_ =	shalt  }
0x5c: {  	_ =	shalt  }
0x5d: {  	_ =	shalt  }
0x5e: {  	_ =	shalt  }
0x5f: {  	_ =	shalt  }
0x60: {  	_ =	shalt  }
0x61: {  	_ =	shalt  }
0x62: {  	_ =	shalt  }
0x63: {  	_ =	shalt  }
0x64: {  	_ =	shalt  }
0x65: {  	_ =	shalt  }
0x66: {  	_ =	shalt  }
0x67: {  	_ =	shalt  }
0x68: {  	_ =	shalt  }
0x69: {  	_ =	shalt  }
0x6a: {  	_ =	shalt  }
0x6b: {  	_ =	shalt  }
0x6c: {  	_ =	shalt  }
0x6d: {  	_ =	shalt  }
0x6e: {  	_ =	shalt  }
0x6f: {  	_ =	shalt  }
0x70: {  	_ =	shalt  }
0x71: {  	_ =	shalt  }
0x72: {  	_ =	shalt  }
0x73: {  	_ =	shalt  }
0x74: {  	_ =	shalt  }
0x75: {  	_ =	shalt  }
0x76: {  	_ =	shalt  }
0x77: {  	_ =	shalt  }
0x78: {  	_ =	shalt  }
0x79: {  	_ =	shalt  }
0x7a: {  	_ =	shalt  }
0x7b: {  	_ =	shalt  }
0x7c: {  	_ =	shalt  }
0x7d: {  	_ =	shalt  }
0x7e: {  	_ =	shalt  }
0x7f: {  	_ =	shalt  }
0x80: {  	_ =	shalt  }
0x81: {  	_ =	shalt  }
0x82: {  	_ =	shalt  }
0x83: {  	_ =	shalt  }
0x84: {  	_ =	shalt  }
0x85: {  	_ =	shalt  }
0x86: {  	_ =	shalt  }
0x87: {  	_ =	shalt  }
.Lfunc_end0:
.L_simem_size_0:
called_computation_lowered:
.L_overlay_start_0:
0x88: {  	s2 =	sld [smem:$0x3FD9]  }
0x89: {  	s3 =	sld [smem:$0x3FFE];
	_ =	sdelay $0x1  }
0x8a: {  	s1 =	srdreg.scid  }
0x8b: {  	s0 =	sand.u32 $0x1, s1  }
0x8c: {  	s16 =	sshll.u32 s0, $0xA;
	s2 =	sadd.s32 s3, s2  }
0x8d: {  	s2 =	sadd.s32 s2, s16  }
0x8e: {  	[smem:$0x3FBA] =	sst s2  }
0x8f: {  	_ = 	snop  }
0x90: {  	(tm) =	ssettm $0x1  }
0x91: {  	s17 =	sld [smem:$0x3FFB];
	_ =	sdelay $0x3  }
0x92: {  	_ =	strace s17  }
0x93: {  	s2 =	sld [smem:$0x3FFC];
	_ =	sdelay $0x3  }
0x94: {  	_ =	strace s2  }
0x95: {  	s2 =	sld [smem:$0x3FFD];
	_ =	sdelay $0x3  }
0x96: {  	_ =	strace s2  }
0x97: {  	_ =	strace $0x8FFFFFFF  }
0x98: {  	s18 =	sld [smem:$0x3FDB];
	_ =	sdelay $0x1  }
0x99: {  	s19 =	simm.s32 $_scs_section_size  }
0x9a: {  	s4 =	simm.s32 $_size__tile_overlayer_lowered;
	s5 =	simm.s32 $_tile_overlayer_lowered  }
0x9b: {  	s22 =	simm.s32 $0x1BFF;
	s21 =	sshll.u32 s5, $0x1;
	s2 =	sadd.s32 s19, s18  }
0x9c: {  	s6 =	simm.s32 $0x0;
	s20 =	sshll.u32 s4, $0x1;
	s4 =	sadd.s32 s21, s2  }
0x9d: {  	[timem:s6], [sflag:s22] =	dma.local [hbm:s4], s20  }
0x9e: {  	_ =	swait.ge [sflag:s22], s20  }
0x9f: {  	s3 =	ssub.s32 $0x0, s20;
	[sflag:s22] =	ssyncset.done $0x0  }
0xa0: {  	[sflag:s22] =	ssyncadd.s32 s3;
	_ =	sdelay $0x1  }
0xa1: {  	s23 =	simm.s32 $0x1B8B  }
0xa2: {  	_ =	swait.ge [sflag:s23], $0x1  }
0xa3: {  	[sflag:s23] =	ssyncset.done $0x0  }
0xa4: {  	s25 =	simm.s32 $0x1B8E;
	s24 =	sld [smem:$0x3FFE];
	[sflag:s23] =	ssyncadd.s32 $0xFFFFFFFF  }
0xa5: {  	s26 =	simm.s32 $execute0_lowered;
	[smem:$0x3FD2] =	sst s25  }
0xa6: {  	s4 =	sshll.u32 s26, $0x1;
	_ =	strace $0x80000046;
	[dreg:$0x1] =	wrdreg $0xFFFFFFFF  }
0xa7: {  	s28 =	simm.s32 $_size_execute0_lowered;
	s2 =	sadd.s32 s2, s4;
	[dreg:$0x0] =	wrdreg $0x0  }
0xa8: {  	s4 =	sshll.u32 s28, $0x1;
	[dreg:$0x2] =	wrdreg s2  }
0xa9: {  	[dreg:$0x3] =	wrdreg s4  }
0xaa: {  	[dreg:$0x4] =	wrdreg $0xC0  }
0xab: {  	_ =	task [dreg:s6], $0x5FFFF  }
0xac: {  	[dreg:$0x1] =	wrdreg $0xFFFFFFFF  }
0xad: {  	[dreg:$0x0] =	wrdreg $0x60  }
0xae: {  	[dreg:$0x2] =	wrdreg s24  }
0xaf: {  	[dreg:$0x3] =	wrdreg $0x9  }
0xb0: {  	_ =	task.clear_ibuf [dreg:s6], $0x4FFFF;
	_ =	strace $0x90000046  }
0xb1: {  	s29 =	simm.s32 $0x9;
	_ =	strace $0x80000048  }
0xb2: {  	_ =	swait.ge [sflag:s29], $0x1  }
0xb3: {  	[sflag:s29] =	ssyncadd.s32 $0xFFFFFFFF  }
0xb4: {  	_ =	strace $0x90000048  }
0xb5: {  	_ =	sfence  }
0xb6: {  	s30 =	sld [smem:$0x0];
	_ =	sdelay $0x2  }
0xb7: {  	s31 =	sshll.u32 s1, $0xD;
	s1 =	sshrl.u32 s1, $0x2  }
0xb8: {  	s3 =	sand.u32 $0x4000, s31;
	s1 =	sadd.s32 s1, s30  }
0xb9: {  	s0 =	sor.u32 s3, s0;
	s1 =	sshll.u32 s1, $0x11  }
0xba: {  	s0 =	sor.u32 s1, s0  }
0xbb: {  	s0 =	sadd.s32 $0x8F2B, s0  }
0xbc: {  	[sflag:s0] =	ssyncadd.remote.s32 $0x1  }
0xbd: {  	_ =	sfence.sel $0xFFFF  }
0xbe: {  	[dreg:$0x0] =	wrdreg $0xFFFFFFFF;
	(pc) =	sbr.abs _section_cstart, $3  }
0xbf: {  	[dreg:$0x1] =	wrdreg $0xFFFFFFFF  }
0xc0: {  	_ =	task.clear_ibuf [dreg:s6], $0x2FFFF;
	_ =	strace $0x9FFFFFFF  }
0xc1: {  	(tm) =	ssettm $0x7FFFFFFF  }
tec
execute0_lowered:
.L_overlay_start_1:
0x0: {  	(tag) =	ssettag $0x1  }
0x1: {  	s7 =	rddreg [dreg:$0x0]  }
0x2: {  	s0 =	rddreg [dreg:$0x1]  }
0x3: {  	s1 =	simm.s32 $0x0;
	s3 =	srdreg.scid;
	s11 =	simm.s32 $0x50  }
0x4: {  	s12 =	simm.s32 $0x2DA0;
	s13 =	simm.s32 $0x1;
	s14 =	simm.s32 $0x2  }
0x5: {  	s15 =	simm.s32 $0x0;
	[smem:$0x7FF] =	sst s1;
	s2 =	sadd.s32 $0x17800, s7  }
0x6: {  	s8 =	sand.u32 $0x1, s3;
	s4 =	sadd.s32 $0x3800, s7;
	s5 =	sadd.s32 $0x43800, s7  }
0x7: {  	s6 =	sadd.s32 $0x4D800, s7;
	s3 =	stileid.u32;
	s9 =	ssub.s32 $0x2, s8  }
0x8: {  	s7 =	sadd.s32 $0x54D800, s7;
	_ =	strace $0x80000047;
	s10 =	sshrl.u32 s9, $0x1  }
0x9: {  	s31 =	sshll.u32 s3, $0x8;
	s8 =	sshll.u32 s8, $0x7;
	s9 =	ssub.s32 s9, s10  }
0xa: {  	s8 =	sor.u32 s8, s31;
	s10 =	simm.s32 $0x3;
	s9 =	smax.u32 s9, $0x1  }
.LBB2_1:
0xb: {  	s16 =	simm.s32 $0x0  }
.LBB2_2:
0xc: {  	s18 =	sadd.s32 s8, s16  }
0xd: {  	s17 =	smul.u32 $0xA, s18;
	_ =	sdelay $0x1  }
0xe: {  	s20 =	simm.s32 $0x0;
	s19 =	sadd.s32 s4, s17  }
0xf: {  	[tilespmem:s20], [sflag:$0x3] =	stream.linear.gather [hbm4b:s19+s20], $0x50, $0x38;
	[tilespmem:$0x5AA0] =	vst v63  }
0x10: {  	_ =	swait.ge [sflag:s10], $0x50  }
0x11: {  	[sflag:s10] =	ssyncset.done $0x0  }
0x12: {  	s17 =	sadd.s32 s5, s17;
	[sflag:s10] =	ssyncadd.s32 $0xFFFFFFB0  }
0x13: {  	[tilespmem:s11], [sflag:$0x3] =	stream.linear.gather [hbm4b:s17+s20], $0x50, $0x38;
	[tilespmem:$0x5AA0] =	vst v63  }
0x14: {  	_ =	swait.ge [sflag:s10], $0x50  }
0x15: {  	[sflag:s10] =	ssyncset.done $0x0  }
0x16: {  	s17 =	simm.s32 $0xA0;
	[sflag:s10] =	ssyncadd.s32 $0xFFFFFFB0  }
0x17: {  	[tilespmem:s17], [sflag:$0x1] =	stream.indirect.gather [hbm4b:s2+s11], $0x90, s20, s11, $0xb8;
	[tilespmem:$0x5AA0] =	vst v63  }
0x18: {  	_ = 	snop  }
0x19: {  	[tilespmem:s12], [sflag:$0x2] =	stream.indirect.gather [hbm4b:s2+s11], $0x90, s11, s11, $0xb8;
	[tilespmem:$0x5AA0] =	vst v63  }
0x1a: {  	_ =	swait.ge [sflag:s13], $0x2D00  }
0x1b: {  	[sflag:s13] =	ssyncset.done $0x0  }
0x1c: {  	s18 =	smul.u32 $0x500, s18;
	[sflag:s13] =	ssyncadd.s32 $0xFFFFD300  }
0x1d: {  	_ =	swait.ge [sflag:s14], $0x2D00  }
0x1e: {  	s21 =	simm.s32 $0x130;
	s19 =	sadd.s32 s6, s18;
	[sflag:s14] =	ssyncset.done $0x0  }
0x1f: {  	s22 =	sadd.s32 $0x0, s19;
	s20 =	simm.s32 $0x10;
	[sflag:s14] =	ssyncadd.s32 $0xFFFFD300  }
.LBB2_3:
0x20: {  	[hbm4b:s22+s1] =	stream.linear.scatter [tilespmem:s17], [sflag:$0x3], $0x80, $0x38;
	[tilespmem:$0x5AA0] =	vst v63  }
0x21: {  	s22 =	smov.u32 s20;
	s17 =	smov.u32 s21;
	p0 =	sne.s32 s20, $0x4F0  }
.Ltmp0:
0x22: {  	s20 =	sadd.s32 $0x10, s20;
	(pc) =	sbr.rel @p0 .LBB2_3-.Ltmp0, $2  }
0x23: {  	_ =	sdelay $0x2  }
0x24: {  	s21 =	sadd.s32 $0x90, s21;
	s22 =	sadd.s32 s22, s19  }
0x25: {  	[hbm4b:s22+s1] =	stream.linear.scatter [tilespmem:s17], [sflag:$0x3], $0x80, $0x38;
	[tilespmem:$0x5AA0] =	vst v63  }
0x26: {  	s17 =	sadd.s32 s7, s18;
	_ =	swait.ge [sflag:s10], $0x2800  }
0x27: {  	s18 =	simm.s32 $0x2DA0;
	s19 =	simm.s32 $0x10;
	[sflag:s10] =	ssyncset.done $0x0  }
0x28: {  	s20 =	simm.s32 $0x2E30;
	s21 =	sadd.s32 $0x0, s17;
	[sflag:s10] =	ssyncadd.s32 $0xFFFFD800  }
.LBB2_5:
0x29: {  	[hbm4b:s21+s1] =	stream.linear.scatter [tilespmem:s18], [sflag:$0x3], $0x80, $0x38;
	[tilespmem:$0x5AA0] =	vst v63  }
0x2a: {  	s21 =	smov.u32 s19;
	s18 =	smov.u32 s20;
	p0 =	sne.s32 s19, $0x4F0  }
.Ltmp1:
0x2b: {  	s19 =	sadd.s32 $0x10, s19;
	(pc) =	sbr.rel @p0 .LBB2_5-.Ltmp1, $2  }
0x2c: {  	_ =	sdelay $0x2  }
0x2d: {  	s20 =	sadd.s32 $0x90, s20;
	s21 =	sadd.s32 s21, s17  }
0x2e: {  	s16 =	sadd.s32 $0x1, s16  }
0x2f: {  	p0 =	sne.s32 s16, $0x80  }
.Ltmp2:
0x30: {  	_ = 	snop;
	(pc) =	sbr.rel @p0 .LBB2_2-.Ltmp2, $4  }
0x31: {  	[hbm4b:s21+s1] =	stream.linear.scatter [tilespmem:s18], [sflag:$0x3], $0x80, $0x38;
	[tilespmem:$0x5AA0] =	vst v63  }
0x32: {  	_ =	swait.ge [sflag:s10], $0x2800  }
0x33: {  	[sflag:s10] =	ssyncset.done $0x0  }
0x34: {  	[sflag:s10] =	ssyncadd.s32 $0xFFFFD800  }
0x35: {  	s15 =	sadd.s32 $0x1, s15  }
0x36: {  	p0 =	sne.s32 s15, s9  }
.Ltmp3:
0x37: {  	_ = 	snop;
	(pc) =	sbr.rel @p0 .LBB2_1-.Ltmp3, $1  }
0x38: {  	_ =	sdelay $0x3  }
0x39: {  	_ =	sfence.sel $0x180000  }
0x3a: {  	[bflag:$0x0] =	sbarrier.arrive $0xFFFF  }
0x3b: {  	p0 =	sne.s32 s3, $0x0;
	_ =	strace $0x90000047  }
0x3c: {  	s0 =	sadd.s32 @!p0 $0x100000, s0;
	[bflag:$0x2] =	sbarrier.arrive $0xFFFF  }
0x3d: {  	[sflag:s0] =	ssyncadd.tile.s32 @!p0 $0x1;
	_ =	shalt  }
.Lfunc_end2:
_tile_overlayer_lowered:
.L_overlay_start_2:
0x3e: {  	(tag) =	ssettag $0x2  }
0x3f: {  	s0 =	rddreg [dreg:$0x0];
	s2 =	stileid.u32  }
0x40: {  	s1 =	rddreg [dreg:$0x1];
	p0 =	sne.s32 s2, $0x0  }
0x41: {  	s3 =	rddreg [dreg:$0x2];
	[bflag:$0x3] =	sbarrier.arrive $0xFFFF;
	s2 =	simm.s32 @!p0 $0x1C03  }
0x42: {  	[timem:s3], [sflag:s2] =	dma.local @!p0 [hbm:s0], s1  }
0x43: {  	s0 =	simm.s32 @!p0 $0x3  }
0x44: {  	_ =	swait.ge @!p0 [sflag:s0], s1  }
0x45: {  	s1 =	ssub.s32 @!p0 $0x0, s1;
	[sflag:s0] =	ssyncset.done @!p0 $0x0  }
0x46: {  	[sflag:s0] =	ssyncadd.s32 @!p0 s1  }
0x47: {  	[bflag:$0x3] =	sbarrier.arrive $0xFFFF  }
0x48: {  	_ =	shalt  }

// kernel: kernel.9.cloned.1.call-start
scs
__scs_entry_jumppad:
0x0: {  	(pc) =	sbr.rel $0x88, $3  }
0x1: {  	(tag) =	ssettag $0x0;
	lr =	simm.s32 $0x1  }
0x2: {  	[smem:$0x3F93] =	sst lr;
	_ =	strace $0xD0000000  }
0x3: {  	_ = 	snop  }
0x4: {  	_ = 	snop  }
0x5: {  	_ = 	snop  }
0x6: {  	_ = 	snop  }
0x7: {  	_ = 	snop  }
__scs_overlays_trampoline_lowered:
0x8: {  	[smem:$0x3FA2] =	sst s0  }
0x9: {  	[smem:$0x3FA3] =	sst s1  }
0xa: {  	[smem:$0x3FA4] =	sst s2  }
0xb: {  	[smem:$0x3FA5] =	sst s3  }
0xc: {  	[smem:$0x3FA6] =	sst s4  }
0xd: {  	[smem:$0x3FA7] =	sst s5  }
0xe: {  	[smem:$0x3FA8] =	sst s6  }
0xf: {  	[smem:$0x3FA9] =	sst s7  }
0x10: {  	[smem:$0x3FAA] =	sst s8  }
0x11: {  	[smem:$0x3FAB] =	sst s9;
	s0 =	simm.s32 @!p0 $0x0  }
0x12: {  	s1 =	sld [smem:$0x3F91];
	s0 =	simm.s32 @p0 $0x1  }
0x13: {  	[smem:$0x3FAC] =	sst s0;
	s0 =	simm.s32 @!p1 $0x0  }
0x14: {  	s2 =	sld [smem:$0x3F90];
	s0 =	simm.s32 @p1 $0x1  }
0x15: {  	[smem:$0x3FAD] =	sst s0;
	s0 =	simm.s32 @!p2 $0x0  }
0x16: {  	s3 =	sld [smem:$0x3FDB];
	s0 =	simm.s32 @p2 $0x1  }
0x17: {  	s4 =	simm.s32 $0x1BF5;
	[smem:$0x3FAF] =	sst s0  }
0x18: {  	s0 =	sld [smem:$0x3F92];
	_ =	swait.ge [sflag:s4], $0x0  }
0x19: {  	s7 =	sld [smem:$0x3F93]  }
0x1a: {  	s8 =	sadd.s32 $0xFFFFE003, lr  }
0x1b: {  	s9 =	sadd.s32 $0xFFFFFEF7, lr;
	s5 =	simm.s32 $0xFFFFFFFF;
	p2 =	slt.u32 s8, $0xFFFFF086  }
0x1c: {  	p1 =	slt.u32 s9, $0xF7A;
	s5 =	simm.s32 @!p2 $0x0  }
0x1d: {  	s5 =	simm.s32 @p1 $0x1;
	p0 =	seq.s32 s7, s2  }
0x1e: {  	s7 =	smul.u32 @!p0 $0xF7A, s2;
	p2 =	seq.s32 @!p0 s5, $0x0  }
0x1f: {  	s9 =	smul.u32 $0xF7A, s1;
	s8 =	simm.s32 @!p0 $0x1BF5;
	p2 =	por !p2, p0  }
0x20: {  	[sflag:s8] =	ssyncset.s32 @!p0 $0xFFFFF086;
	s6 =	sadd.s32 @!p0 s3, s7;
	s7 =	simm.s32 @!p0 $0x108  }
0x21: {  	s3 =	sadd.s32 s3, s9;
	s6 =	sadd.s32 @!p0 $0x88, s6;
	s7 =	simm.s32 @p2 $0x1082  }
0x22: {  	[simem:s7], [sflag:s8] =	dma.local @!p0 [hbm:s6], $0xF7A  }
0x23: {  	s9 =	sor.u32 $0xD0000000, s2;
	s6 =	simm.s32 $0x108;
	_ =	swait.ge @!p0 [sflag:s8], $0x0  }
0x24: {  	s3 =	sadd.s32 $0x88, s3;
	s6 =	simm.s32 @!p1 $0x1082;
	[sflag:s4] =	ssyncset.s32 $0xFFFFF086  }
0x25: {  	[simem:s6], [sflag:s4] =	dma.local [hbm:s3], $0xF7A  }
0x26: {  	[smem:$0x3F93] =	sst s1;
	(tag) =	ssettag s2;
	_ =	strace s9  }
0x27: {  	s1 =	sld [smem:$0x3FA3]  }
0x28: {  	s2 =	sld [smem:$0x3FA4]  }
0x29: {  	s4 =	sld [smem:$0x3FA6]  }
0x2a: {  	p0 =	seq.s32 s5, $0x0;
	s5 =	sld [smem:$0x3FA7]  }
0x2b: {  	s6 =	sld [smem:$0x3FA8]  }
0x2c: {  	s7 =	sld [smem:$0x3FA9]  }
0x2d: {  	s3 =	simm.s32 $0x108;
	s8 =	sld [smem:$0x3FAA]  }
0x2e: {  	s3 =	simm.s32 @!p0 $0x1082;
	s9 =	sld [smem:$0x3FAB]  }
0x2f: {  	lr =	sadd.s32 s0, s3;
	s0 =	sld [smem:$0x3FA2]  }
0x30: {  	s3 =	sld [smem:$0x3FA5]  }
0x31: {  	[smem:$0x3FAE] =	sst s10  }
0x32: {  	s10 =	sld [smem:$0x3FAC];
	_ =	sdelay $0x3  }
0x33: {  	p0 =	seq.s32 s10, $0x1;
	s10 =	sld [smem:$0x3FAE];
	_ =	sdelay $0x3  }
0x34: {  	[smem:$0x3FAE] =	sst s10  }
0x35: {  	s10 =	sld [smem:$0x3FAD];
	_ =	sdelay $0x3  }
0x36: {  	p1 =	seq.s32 s10, $0x1;
	s10 =	sld [smem:$0x3FAE];
	_ =	sdelay $0x3  }
0x37: {  	[smem:$0x3FAE] =	sst s10  }
0x38: {  	s10 =	sld [smem:$0x3FAF]  }
0x39: {  	_ = 	snop;
	(pc) =	sbr.ind lr, $3  }
0x3a: {  	_ = 	snop  }
0x3b: {  	_ = 	snop  }
0x3c: {  	p2 =	seq.s32 s10, $0x1;
	s10 =	sld [smem:$0x3FAE]  }
0x3d: {  	_ =	shalt  }
0x3e: {  	_ =	shalt  }
0x3f: {  	_ =	shalt  }
0x40: {  	_ =	shalt  }
0x41: {  	_ =	shalt  }
0x42: {  	_ =	shalt  }
0x43: {  	_ =	shalt  }
0x44: {  	_ =	shalt  }
0x45: {  	_ =	shalt  }
0x46: {  	_ =	shalt  }
0x47: {  	_ =	shalt  }
0x48: {  	_ =	shalt  }
0x49: {  	_ =	shalt  }
0x4a: {  	_ =	shalt  }
0x4b: {  	_ =	shalt  }
0x4c: {  	_ =	shalt  }
0x4d: {  	_ =	shalt  }
0x4e: {  	_ =	shalt  }
0x4f: {  	_ =	shalt  }
0x50: {  	_ =	shalt  }
0x51: {  	_ =	shalt  }
0x52: {  	_ =	shalt  }
0x53: {  	_ =	shalt  }
0x54: {  	_ =	shalt  }
0x55: {  	_ =	shalt  }
0x56: {  	_ =	shalt  }
0x57: {  	_ =	shalt  }
0x58: {  	_ =	shalt  }
0x59: {  	_ =	shalt  }
0x5a: {  	_ =	shalt  }
0x5b: {  	_ =	shalt  }
0x5c: {  	_ =	shalt  }
0x5d: {  	_ =	shalt  }
0x5e: {  	_ =	shalt  }
0x5f: {  	_ =	shalt  }
0x60: {  	_ =	shalt  }
0x61: {  	_ =	shalt  }
0x62: {  	_ =	shalt  }
0x63: {  	_ =	shalt  }
0x64: {  	_ =	shalt  }
0x65: {  	_ =	shalt  }
0x66: {  	_ =	shalt  }
0x67: {  	_ =	shalt  }
0x68: {  	_ =	shalt  }
0x69: {  	_ =	shalt  }
0x6a: {  	_ =	shalt  }
0x6b: {  	_ =	shalt  }
0x6c: {  	_ =	shalt  }
0x6d: {  	_ =	shalt  }
0x6e: {  	_ =	shalt  }
0x6f: {  	_ =	shalt  }
0x70: {  	_ =	shalt  }
0x71: {  	_ =	shalt  }
0x72: {  	_ =	shalt  }
0x73: {  	_ =	shalt  }
0x74: {  	_ =	shalt  }
0x75: {  	_ =	shalt  }
0x76: {  	_ =	shalt  }
0x77: {  	_ =	shalt  }
0x78: {  	_ =	shalt  }
0x79: {  	_ =	shalt  }
0x7a: {  	_ =	shalt  }
0x7b: {  	_ =	shalt  }
0x7c: {  	_ =	shalt  }
0x7d: {  	_ =	shalt  }
0x7e: {  	_ =	shalt  }
0x7f: {  	_ =	shalt  }
0x80: {  	_ =	shalt  }
0x81: {  	_ =	shalt  }
0x82: {  	_ =	shalt  }
0x83: {  	_ =	shalt  }
0x84: {  	_ =	shalt  }
0x85: {  	_ =	shalt  }
0x86: {  	_ =	shalt  }
0x87: {  	_ =	shalt  }
.Lfunc_end0:
.L_simem_size_0:
called_computation.1_lowered:
.L_overlay_start_0:
0x88: {  	s2 =	sld [smem:$0x3FD9]  }
0x89: {  	s3 =	sld [smem:$0x3FFE];
	_ =	sdelay $0x1  }
0x8a: {  	s1 =	srdreg.scid  }
0x8b: {  	s0 =	sand.u32 $0x1, s1  }
0x8c: {  	s16 =	sshll.u32 s0, $0xA;
	s2 =	sadd.s32 s3, s2  }
0x8d: {  	s2 =	sadd.s32 s2, s16  }
0x8e: {  	[smem:$0x3FBA] =	sst s2  }
0x8f: {  	_ = 	snop  }
0x90: {  	(tm) =	ssettm $0x1  }
0x91: {  	s17 =	sld [smem:$0x3FFB];
	_ =	sdelay $0x3  }
0x92: {  	_ =	strace s17  }
0x93: {  	s2 =	sld [smem:$0x3FFC];
	_ =	sdelay $0x3  }
0x94: {  	_ =	strace s2  }
0x95: {  	s2 =	sld [smem:$0x3FFD];
	_ =	sdelay $0x3  }
0x96: {  	_ =	strace s2  }
0x97: {  	_ =	strace $0x8FFFFFFF  }
0x98: {  	s18 =	sld [smem:$0x3FDB];
	_ =	sdelay $0x1  }
0x99: {  	s19 =	simm.s32 $_scs_section_size  }
0x9a: {  	s4 =	simm.s32 $_size__tile_overlayer_lowered;
	s5 =	simm.s32 $_tile_overlayer_lowered  }
0x9b: {  	s22 =	simm.s32 $0x1BFF;
	s21 =	sshll.u32 s5, $0x1;
	s2 =	sadd.s32 s19, s18  }
0x9c: {  	s6 =	simm.s32 $0x0;
	s20 =	sshll.u32 s4, $0x1;
	s4 =	sadd.s32 s21, s2  }
0x9d: {  	[timem:s6], [sflag:s22] =	dma.local [hbm:s4], s20  }
0x9e: {  	_ =	swait.ge [sflag:s22], s20  }
0x9f: {  	s3 =	ssub.s32 $0x0, s20;
	[sflag:s22] =	ssyncset.done $0x0  }
0xa0: {  	[sflag:s22] =	ssyncadd.s32 s3;
	_ =	sdelay $0x1  }
0xa1: {  	s23 =	simm.s32 $0x1B8B  }
0xa2: {  	_ =	swait.ge [sflag:s23], $0x1  }
0xa3: {  	[sflag:s23] =	ssyncset.done $0x0  }
0xa4: {  	s25 =	simm.s32 $0x1B8E;
	s24 =	sld [smem:$0x3FFE];
	[sflag:s23] =	ssyncadd.s32 $0xFFFFFFFF  }
0xa5: {  	s26 =	simm.s32 $execute0_lowered;
	[smem:$0x3FD2] =	sst s25  }
0xa6: {  	s4 =	sshll.u32 s26, $0x1;
	_ =	strace $0x80000049;
	[dreg:$0x1] =	wrdreg $0xFFFFFFFF  }
0xa7: {  	s28 =	simm.s32 $_size_execute0_lowered;
	s2 =	sadd.s32 s2, s4;
	[dreg:$0x0] =	wrdreg $0x0  }
0xa8: {  	s4 =	sshll.u32 s28, $0x1;
	[dreg:$0x2] =	wrdreg s2  }
0xa9: {  	[dreg:$0x3] =	wrdreg s4  }
0xaa: {  	[dreg:$0x4] =	wrdreg $0xC0  }
0xab: {  	_ =	task [dreg:s6], $0x5FFFF  }
0xac: {  	[dreg:$0x1] =	wrdreg $0xFFFFFFFF  }
0xad: {  	[dreg:$0x0] =	wrdreg $0x60  }
0xae: {  	[dreg:$0x2] =	wrdreg s24  }
0xaf: {  	[dreg:$0x3] =	wrdreg $0x48800  }
0xb0: {  	[dreg:$0x4] =	wrdreg $0x9  }
0xb1: {  	_ =	task.clear_ibuf [dreg:s6], $0x5FFFF;
	_ =	strace $0x90000049  }
0xb2: {  	s29 =	simm.s32 $0x9;
	_ =	strace $0x8000004B  }
0xb3: {  	_ =	swait.ge [sflag:s29], $0x1  }
0xb4: {  	[sflag:s29] =	ssyncadd.s32 $0xFFFFFFFF  }
0xb5: {  	_ =	strace $0x9000004B  }
0xb6: {  	_ =	sfence  }
0xb7: {  	s30 =	sld [smem:$0x0];
	_ =	sdelay $0x2  }
0xb8: {  	s31 =	sshll.u32 s1, $0xD;
	s1 =	sshrl.u32 s1, $0x2  }
0xb9: {  	s3 =	sand.u32 $0x4000, s31;
	s1 =	sadd.s32 s1, s30  }
0xba: {  	s0 =	sor.u32 s3, s0;
	s1 =	sshll.u32 s1, $0x11  }
0xbb: {  	s0 =	sor.u32 s1, s0  }
0xbc: {  	s0 =	sadd.s32 $0x8F2B, s0  }
0xbd: {  	[sflag:s0] =	ssyncadd.remote.s32 $0x1  }
0xbe: {  	_ =	sfence.sel $0xFFFF  }
0xbf: {  	[dreg:$0x0] =	wrdreg $0xFFFFFFFF;
	(pc) =	sbr.abs _section_cstart, $3  }
0xc0: {  	[dreg:$0x1] =	wrdreg $0xFFFFFFFF  }
0xc1: {  	_ =	task.clear_ibuf [dreg:s6], $0x2FFFF;
	_ =	strace $0x9FFFFFFF  }
0xc2: {  	(tm) =	ssettm $0x7FFFFFFF  }
0xc3: {  	_ =	shalt  }
tec
execute0_lowered:
.L_overlay_start_1:
0x0: {  	(tag) =	ssettag $0x1  }
0x1: {  	s5 =	rddreg [dreg:$0x0]  }
0x2: {  	s2 =	rddreg [dreg:$0x1];
	s1 =	stileid.u32  }
0x3: {  	s0 =	rddreg [dreg:$0x2];
	s4 =	smul.u32 $0x5A000, s1  }
0x4: {  	s7 =	srdreg.scid;
	s6 =	smul.u32 $0xA00, s1  }
0x5: {  	s3 =	simm.s32 $0x0;
	s7 =	sand.u32 $0x1, s7;
	s8 =	smul.u32 $0x16800, s1  }
0x6: {  	[smem:$0x7FF] =	sst s3;
	s29 =	sshll.u32 s1, $0x6;
	s9 =	smul.u32 $0x168000, s7  }
0x7: {  	_ =	strace $0x8000004A;
	s26 =	ssub.s32 $0x2, s7;
	s12 =	smul.u32 $0x2D000, s7  }
0x8: {  	s13 =	smul.u32 $0x500, s7;
	s10 =	sadd.s32 s4, s5;
	s11 =	sadd.s32 s6, s5  }
0x9: {  	s4 =	sadd.s32 $0x3800, s5;
	s28 =	sshrl.u32 s26, $0x1;
	s14 =	sadd.s32 s8, s2  }
0xa: {  	s25 =	sadd.s32 s8, s9;
	s9 =	ssub.s32 s26, s28;
	s30 =	sadd.s32 s12, s10  }
0xb: {  	s31 =	sadd.s32 s13, s11;
	s10 =	sshrl.u32 s14, $0x3;
	s11 =	simm.s32 $0x1  }
0xc: {  	s12 =	simm.s32 $0x80;
	s13 =	simm.s32 $0x0;
	s6 =	sshrl.u32 s25, $0x3  }
0xd: {  	s7 =	smax.u32 s9, $0x1;
	s8 =	sadd.s32 $0x17800, s30;
	s6 =	sadd.s32 s6, s5  }
0xe: {  	s9 =	sadd.s32 $0xD800, s31;
	s5 =	sor.u32 $0x1C01, s29;
	s6 =	sadd.s32 $0x5B7800, s6  }
.LBB2_1:
0xf: {  	[spmem:s10], [sflag:s5] =	dma.local [hbm:s4], $0x2D00  }
0x10: {  	_ =	swait.ge [sflag:s11], $0x2D00  }
0x11: {  	[sflag:s11] =	ssyncset.done $0x0  }
0x12: {  	[sflag:s11] =	ssyncadd.s32 $0xFFFFD300  }
0x13: {  	s14 =	sadd.s32 $0x0, s9;
	[bflag:$0x0] =	sbarrier.arrive $0xFFFF  }
0x14: {  	[tilespmem:s3], [sflag:$0x1] =	stream.linear.gather [hbm4b:s14+s3], $0x80, $0x38;
	[tilespmem:$0x1B080] =	vst v63  }
0x15: {  	_ =	swait.ge [sflag:s11], $0x80  }
0x16: {  	[sflag:s11] =	ssyncset.done $0x0  }
0x17: {  	[sflag:s11] =	ssyncadd.s32 $0xFFFFFF80  }
0x18: {  	[tilespmem:s12], [sflag:$0x1] =	stream.linear.gather [hbm4b:s8+s3], $0x4800, $0x38;
	[tilespmem:$0x1B080] =	vst v63  }
0x19: {  	_ =	swait.ge [sflag:s11], $0x4800  }
0x1a: {  	[sflag:s11] =	ssyncset.done $0x0  }
0x1b: {  	[sflag:s11] =	ssyncadd.s32 $0xFFFFB800  }
0x1c: {  	[spmem:s2] =	stream.indirect.scatter.add.f32 [tilespmem:s12], [sflag:$0x1], $0x90, s3, s12, $0xb8;
	[tilespmem:$0x1B080] =	vst v63  }
0x1d: {  	s15 =	simm.s32 $0x10;
	_ =	swait.ge [sflag:s11], $0x4800  }
0x1e: {  	s16 =	simm.s32 $0x20;
	s14 =	sadd.s32 $0x900, s8;
	[sflag:s11] =	ssyncset.done $0x0  }
.LBB2_2:
0x1f: {  	s17 =	sadd.s32 s15, s9  }
0x20: {  	[sflag:s11] =	ssyncadd.s32 $0xFFFFB800;
	s15 =	smov.u32 s16;
	s18 =	sadd.s32 $0x10, s16  }
0x21: {  	[tilespmem:s3], [sflag:$0x1] =	stream.linear.gather [hbm4b:s17+s3], $0x80, $0x38;
	[tilespmem:$0x1B080] =	vst v63  }
0x22: {  	p0 =	sne.s32 s16, $0x4F0;
	_ =	swait.ge [sflag:s11], $0x80  }
0x23: {  	[sflag:s11] =	ssyncset.done $0x0  }
0x24: {  	[sflag:s11] =	ssyncadd.s32 $0xFFFFFF80  }
0x25: {  	[tilespmem:s12], [sflag:$0x1] =	stream.linear.gather [hbm4b:s14+s3], $0x4800, $0x38;
	[tilespmem:$0x1B080] =	vst v63  }
0x26: {  	_ =	swait.ge [sflag:s11], $0x4800  }
.Ltmp0:
0x27: {  	[sflag:s11] =	ssyncset.done $0x0;
	(pc) =	sbr.rel @p0 .LBB2_2-.Ltmp0, $4  }
0x28: {  	[sflag:s11] =	ssyncadd.s32 $0xFFFFB800  }
0x29: {  	[spmem:s2] =	stream.indirect.scatter.add.f32 [tilespmem:s12], [sflag:$0x1], $0x90, s3, s12, $0xb8;
	[tilespmem:$0x1B080] =	vst v63  }
0x2a: {  	_ =	swait.ge [sflag:s11], $0x4800  }
0x2b: {  	s16 =	smov.u32 s18;
	s14 =	sadd.s32 $0x900, s14;
	[sflag:s11] =	ssyncset.done $0x0  }
0x2c: {  	s15 =	sadd.s32 s15, s9;
	[sflag:s11] =	ssyncadd.s32 $0xFFFFB800  }
0x2d: {  	[tilespmem:s3], [sflag:$0x1] =	stream.linear.gather [hbm4b:s15+s3], $0x80, $0x38;
	[tilespmem:$0x1B080] =	vst v63  }
0x2e: {  	_ =	swait.ge [sflag:s11], $0x80  }
0x2f: {  	[sflag:s11] =	ssyncset.done $0x0  }
0x30: {  	[sflag:s11] =	ssyncadd.s32 $0xFFFFFF80  }
0x31: {  	[tilespmem:s12], [sflag:$0x1] =	stream.linear.gather [hbm4b:s14+s3], $0x4800, $0x38;
	[tilespmem:$0x1B080] =	vst v63  }
0x32: {  	_ =	swait.ge [sflag:s11], $0x4800  }
0x33: {  	[sflag:s11] =	ssyncset.done $0x0  }
0x34: {  	[sflag:s11] =	ssyncadd.s32 $0xFFFFB800  }
0x35: {  	[spmem:s2] =	stream.indirect.scatter.add.f32 [tilespmem:s12], [sflag:$0x1], $0x90, s3, s12, $0xb8;
	[tilespmem:$0x1B080] =	vst v63  }
0x36: {  	_ =	swait.ge [sflag:s11], $0x4800  }
0x37: {  	s13 =	sadd.s32 $0x1, s13;
	[sflag:s11] =	ssyncset.done $0x0  }
0x38: {  	p0 =	sne.s32 s13, s7;
	[sflag:s11] =	ssyncadd.s32 $0xFFFFB800  }
.Ltmp1:
0x39: {  	[bflag:$0x0] =	sbarrier.arrive $0xFFFF;
	(pc) =	sbr.rel @p0 .LBB2_1-.Ltmp1, $4  }
0x3a: {  	[hbm:s6], [sflag:s5] =	dma.local [spmem:s10], $0x2D00  }
0x3b: {  	_ =	swait.ge [sflag:s11], $0x2D00  }
0x3c: {  	[sflag:s11] =	ssyncset.done $0x0  }
0x3d: {  	[sflag:s11] =	ssyncadd.s32 $0xFFFFD300  }
0x3e: {  	_ =	sfence.sel $0x180000  }
0x3f: {  	[bflag:$0x0] =	sbarrier.arrive $0xFFFF  }
0x40: {  	p0 =	sne.s32 s1, $0x0;
	_ =	strace $0x9000004A  }
0x41: {  	s0 =	sadd.s32 @!p0 $0x100000, s0;
	[bflag:$0x2] =	sbarrier.arrive $0xFFFF  }
0x42: {  	[sflag:s0] =	ssyncadd.tile.s32 @!p0 $0x1;
	_ =	shalt  }
.Lfunc_end2:
_tile_overlayer_lowered:
.L_overlay_start_2:
0x43: {  	(tag) =	ssettag $0x2  }
0x44: {  	s0 =	rddreg [dreg:$0x0];
	s2 =	stileid.u32  }
0x45: {  	s1 =	rddreg [dreg:$0x1];
	p0 =	sne.s32 s2, $0x0  }
0x46: {  	s3 =	rddreg [dreg:$0x2];
	[bflag:$0x3] =	sbarrier.arrive $0xFFFF;
	s2 =	simm.s32 @!p0 $0x1C01  }
0x47: {  	[timem:s3], [sflag:s2] =	dma.local @!p0 [hbm:s0], s1  }
0x48: {  	s0 =	simm.s32 @!p0 $0x1  }
0x49: {  	_ =	swait.ge @!p0 [sflag:s0], s1  }
0x4a: {  	s1 =	ssub.s32 @!p0 $0x0, s1;
	[sflag:s0] =	ssyncset.done @!p0 $0x0  }
0x4b: {  	[sflag:s0] =	ssyncadd.s32 @!p0 s1  }
0x4c: {  	[bflag:$0x3] =	sbarrier.arrive $0xFFFF  }
0x4d: {  	_ =	shalt  }

</sc_bundles>
